<compile_context>
chip_gen: v7x
topology: tpu7x:2x2x1
jax: 0.10.2.dev20260603
libtpu: 0.0.44.dev20260713+nightly
codegen_flags: <defaults>
</compile_context>

<pallas_src>
import functools

import jax
import jax.numpy as jnp
from jax import lax
from jax.experimental import pallas as pl
from jax.experimental.pallas import tpu as pltpu
from jax.experimental.pallas import tpu_sc as plsc

N_NODES = 100000
D = 128
B = 500000

_info = plsc.get_sparse_core_info()
NC = _info.num_cores
NS = _info.num_subcores
NW = NC * NS
C = 160
NCHUNKS = B // C
CHUNKS_PER_W = -(-NCHUNKS // NW)
NBUF = 6
AHEAD = 3


def _sum_body(a_ref, b_ref, o_ref):
    o_ref[...] = a_ref[...] + b_ref[...]


def _sum_table(node_features, memory):
    rows = 10000
    return pl.pallas_call(
        _sum_body,
        grid=(N_NODES // rows,),
        in_specs=[pl.BlockSpec((rows, D), lambda i: (i, 0)),
                  pl.BlockSpec((rows, D), lambda i: (i, 0))],
        out_specs=pl.BlockSpec((rows, D), lambda i: (i, 0)),
        out_shape=jax.ShapeDtypeStruct((N_NODES, D), jnp.float32),
    )(node_features, memory)


_mesh = plsc.VectorSubcoreMesh(core_axis_name="c", subcore_axis_name="s")


@functools.partial(
    pl.kernel,
    mesh=_mesh,
    out_type=jax.ShapeDtypeStruct((B, D), jnp.float32),
    scratch_types=(
        [pltpu.VMEM((C,), jnp.int32)] * NBUF
        + [pltpu.VMEM((C, D), jnp.float32)] * NBUF
        + [pltpu.SemaphoreType.DMA] * NBUF
        + [pltpu.SemaphoreType.DMA] * NBUF
    ),
)
def _gather_k(table_hbm, idx_hbm, out_hbm, *scratch):
    idxs = scratch[:NBUF]
    bufs = scratch[NBUF:2 * NBUF]
    gsem = scratch[2 * NBUF:3 * NBUF]
    wsem = scratch[3 * NBUF:]
    wid = lax.axis_index("s") * NC + lax.axis_index("c")

    def step(t, u):
        cid_f = wid + t * NW

        @pl.when(jnp.logical_and(t >= NBUF, wid + (t - NBUF) * NW < NCHUNKS))
        def _():
            pcid = wid + (t - NBUF) * NW
            pltpu.make_async_copy(bufs[u], out_hbm.at[pl.ds(pcid * C, C)],
                                  wsem[u]).wait()

        @pl.when(jnp.logical_and(t < CHUNKS_PER_W, cid_f < NCHUNKS))
        def _():
            pltpu.sync_copy(idx_hbm.at[pl.ds(cid_f * C, C)], idxs[u])
            pltpu.async_copy(table_hbm.at[idxs[u]], bufs[u], gsem[u])

        ud = (u - AHEAD) % NBUF

        @pl.when(jnp.logical_and(t >= AHEAD, wid + (t - AHEAD) * NW < NCHUNKS))
        def _():
            dcid = wid + (t - AHEAD) * NW
            pltpu.make_async_copy(table_hbm.at[idxs[ud]], bufs[ud],
                                  gsem[ud]).wait()
            pltpu.async_copy(bufs[ud], out_hbm.at[pl.ds(dcid * C, C)],
                             wsem[ud])

    NSTEP = CHUNKS_PER_W + NBUF
    NITER = -(-NSTEP // NBUF)

    def outer(j, _):
        for u in range(NBUF):
            step(j * NBUF + u, u)
        return ()

    lax.fori_loop(0, NITER, outer, ())


def kernel(node_features, memory, source_nodes, timestamps, time_w, time_b):
    table = _sum_table(node_features, memory)
    idx = source_nodes.astype(jnp.int32)
    return _gather_k(table, idx)

# --- scband reference (transcript-rebuilt; emitter-appended) ---
"""Pipeline reference for scband-graph-embedding-11948599018232 (READ-ONLY COPY).

The authoritative reference and input builder live on the scoring server;
editing this copy changes nothing except your own understanding.
"""

import jax, jax.numpy as jnp
import numpy as np

N_NODES = 100000
D_FEAT = 128
N_TIME = 128
BATCH = 500000

def setup_inputs(seed: int = 0) -> dict:
    key = jax.random.key(seed)
    k1, k2, k3, k4, k5, k6 = jax.random.split(key, 6)
    node_features = jax.random.normal(k1, (N_NODES, D_FEAT), dtype=jnp.float32)
    memory = jax.random.normal(k2, (N_NODES, D_FEAT), dtype=jnp.float32)
    source_nodes = jax.random.randint(k3, (BATCH,), 0, N_NODES, dtype=jnp.int64 if jax.config.jax_enable_x64 else jnp.int32)
    timestamps = jax.random.uniform(k4, (BATCH,), dtype=jnp.float32)
    # TimeEncode params (cos(t * w + b)), TGN-style
    time_w = jax.random.normal(k5, (N_TIME,), dtype=jnp.float32)
    time_b = jax.random.normal(k6, (N_TIME,), dtype=jnp.float32)
    return {"node_features": node_features, "memory": memory,
            "source_nodes": source_nodes, "timestamps": timestamps,
            "time_w": time_w, "time_b": time_b}

def reference(node_features, memory, source_nodes, timestamps, time_w, time_b):
    # GraphEmbedding.compute_embedding with n_layers == 0 (base case of recursion):
    # source_nodes_time_embedding = time_encoder(zeros_like(timestamps))  (computed, unused at layer 0)
    ts = timestamps[:, None]
    source_nodes_time_embedding = jnp.cos(jnp.zeros_like(ts) * time_w[None, :] + time_b[None, :])
    # gather node features + memory rows (use_memory=True)
    source_node_features = jnp.take(node_features, source_nodes, axis=0)
    source_node_features = jnp.take(memory, source_nodes, axis=0) + source_node_features
    # n_layers == 0 -> return source_node_features
    return source_node_features

if __name__ == "__main__":
    import jax
    _d = setup_inputs()
    print(jax.jit(kernel)(*tuple(_d.values())))

</pallas_src>

<mosaic_0001>
#map = affine_map<(d0, d1) -> (0, 0)>
#map1 = affine_map<(d0, d1) -> (0)>
module attributes {stable_mosaic.version = 14 : i64} {
  func.func @_gather_k(%arg0: i32, %arg1: i32, %arg2: memref<100000x128xf32, #tpu.memory_space<hbm>>, %arg3: memref<500000xi32, #tpu.memory_space<hbm>>, %arg4: memref<500000x128xf32, #tpu.memory_space<hbm>>, %arg5: memref<160xi32, #tpu.memory_space<vmem>>, %arg6: memref<160xi32, #tpu.memory_space<vmem>>, %arg7: memref<160xi32, #tpu.memory_space<vmem>>, %arg8: memref<160xi32, #tpu.memory_space<vmem>>, %arg9: memref<160xi32, #tpu.memory_space<vmem>>, %arg10: memref<160xi32, #tpu.memory_space<vmem>>, %arg11: memref<160x128xf32, #tpu.memory_space<vmem>>, %arg12: memref<160x128xf32, #tpu.memory_space<vmem>>, %arg13: memref<160x128xf32, #tpu.memory_space<vmem>>, %arg14: memref<160x128xf32, #tpu.memory_space<vmem>>, %arg15: memref<160x128xf32, #tpu.memory_space<vmem>>, %arg16: memref<160x128xf32, #tpu.memory_space<vmem>>, %arg17: memref<!tpu.dma_semaphore, #tpu.memory_space<semaphore_mem>>, %arg18: memref<!tpu.dma_semaphore, #tpu.memory_space<semaphore_mem>>, %arg19: memref<!tpu.dma_semaphore, #tpu.memory_space<semaphore_mem>>, %arg20: memref<!tpu.dma_semaphore, #tpu.memory_space<semaphore_mem>>, %arg21: memref<!tpu.dma_semaphore, #tpu.memory_space<semaphore_mem>>, %arg22: memref<!tpu.dma_semaphore, #tpu.memory_space<semaphore_mem>>, %arg23: memref<!tpu.dma_semaphore, #tpu.memory_space<semaphore_mem>>, %arg24: memref<!tpu.dma_semaphore, #tpu.memory_space<semaphore_mem>>, %arg25: memref<!tpu.dma_semaphore, #tpu.memory_space<semaphore_mem>>, %arg26: memref<!tpu.dma_semaphore, #tpu.memory_space<semaphore_mem>>, %arg27: memref<!tpu.dma_semaphore, #tpu.memory_space<semaphore_mem>>, %arg28: memref<!tpu.dma_semaphore, #tpu.memory_space<semaphore_mem>>) attributes {dimension_semantics = [#tpu.dimension_semantics<core_parallel>, #tpu.dimension_semantics<subcore_parallel>], iteration_bounds = array<i64: 2, 16>, scalar_prefetch = 0 : i64, scratch_operands = 24 : i64, tpu.core_type = #tpu.core_type<sc_vector_subcore>, window_params = [{transform_indices = #map}, {transform_indices = #map1}, {transform_indices = #map}]} {
    %mul3A = arith.constant 2 : i32
    %mul3A_0 = arith.muli %arg1, %mul3A : i32
    %add3A = arith.addi %mul3A_0, %arg0 : i32
    %scan3A = arith.constant 0 : i32
    %scan3A_1 = arith.constant 18 : i32
    %scan3A_2 = arith.addi %scan3A, %scan3A_1 : i32
    %scan3A_3 = arith.constant 1 : i32
    scf.for %scan3A_5 = %scan3A to %scan3A_2 step %scan3A_3  : i32 {
      %mul3A_6 = arith.constant 6 : i32
      %mul3A_7 = arith.muli %scan3A_5, %mul3A_6 : i32
      %add3A_8 = arith.constant 0 : i32
      %add3A_9 = arith.addi %mul3A_7, %add3A_8 : i32
      %mul3A_10 = arith.constant 32 : i32
      %mul3A_11 = arith.muli %add3A_9, %mul3A_10 : i32
      %add3A_12 = arith.addi %add3A, %mul3A_11 : i32
      %ge3A = arith.constant 6 : i32
      %ge3A_13 = arith.cmpi sge, %add3A_9, %ge3A : i32
      %sub3A = arith.constant 6 : i32
      %sub3A_14 = arith.subi %add3A_9, %sub3A : i32
      %mul3A_15 = arith.constant 32 : i32
      %mul3A_16 = arith.muli %sub3A_14, %mul3A_15 : i32
      %add3A_17 = arith.addi %add3A, %mul3A_16 : i32
      %lt3A = arith.constant 3125 : i32
      %lt3A_18 = arith.cmpi slt, %add3A_17, %lt3A : i32
      %and3A = arith.andi %ge3A_13, %lt3A_18 : i1
      %convert_element_type3A = arith.extui %and3A : i1 to i32
      %cond3A = arith.constant 0 : i32
      %cond3A_19 = arith.cmpi ne, %convert_element_type3A, %cond3A : i32
      scf.if %cond3A_19 {
        %sub3A_246 = arith.constant 6 : i32
        %sub3A_247 = arith.subi %add3A_9, %sub3A_246 : i32
        %mul3A_248 = arith.constant 32 : i32
        %mul3A_249 = arith.muli %sub3A_247, %mul3A_248 : i32
        %add3A_250 = arith.addi %add3A, %mul3A_249 : i32
        %mul3A_251 = arith.constant 160 : i32
        %mul3A_252 = arith.muli %add3A_250, %mul3A_251 : i32
        %dma_wait3A = arith.constant 0 : i32
        %dma_wait3A_253 = tpu.memref_slice %arg4[%mul3A_252, %dma_wait3A] : memref<500000x128xf32, #tpu.memory_space<hbm>> -> memref<160x128xf32, #tpu.memory_space<hbm>>
        %dma_wait3A_254 = arith.constant 0 : i32
        %dma_wait3A_255 = tpu.memref_slice %arg4[%mul3A_252, %dma_wait3A_254] : memref<500000x128xf32, #tpu.memory_space<hbm>> -> memref<160x128xf32, #tpu.memory_space<hbm>>
        tpu.wait_dma2 semaphore(%arg23 : memref<!tpu.dma_semaphore, #tpu.memory_space<semaphore_mem>>) src(%arg11 : memref<160x128xf32, #tpu.memory_space<vmem>>) dst(%dma_wait3A_255 : memref<160x128xf32, #tpu.memory_space<hbm>>)
      } else {
      }
      %lt3A_20 = arith.constant 98 : i32
      %lt3A_21 = arith.cmpi slt, %add3A_9, %lt3A_20 : i32
      %lt3A_22 = arith.constant 3125 : i32
      %lt3A_23 = arith.cmpi slt, %add3A_12, %lt3A_22 : i32
      %and3A_24 = arith.andi %lt3A_21, %lt3A_23 : i1
      %convert_element_type3A_25 = arith.extui %and3A_24 : i1 to i32
      %cond3A_26 = arith.constant 0 : i32
      %cond3A_27 = arith.cmpi ne, %convert_element_type3A_25, %cond3A_26 : i32
      scf.if %cond3A_27 {
        %mul3A_246 = arith.constant 160 : i32
        %mul3A_247 = arith.muli %add3A_12, %mul3A_246 : i32
        "tpu.region"() ({
          %run_scoped3A = tpu.sem_alloc : memref<!tpu.dma_semaphore, #tpu.memory_space<semaphore_mem>>
          %dma_start3A_250 = tpu.memref_slice %arg3[%mul3A_247] : memref<500000xi32, #tpu.memory_space<hbm>> -> memref<160xi32, #tpu.memory_space<hbm>>
          %dma_start3A_251 = tpu.memref_slice %arg3[%mul3A_247] : memref<500000xi32, #tpu.memory_space<hbm>> -> memref<160xi32, #tpu.memory_space<hbm>>
          tpu.enqueue_dma source(%dma_start3A_251 : memref<160xi32, #tpu.memory_space<hbm>>) target(%arg5 : memref<160xi32, #tpu.memory_space<vmem>>) target_semaphore(%run_scoped3A : memref<!tpu.dma_semaphore, #tpu.memory_space<semaphore_mem>>)
          %dma_wait3A = tpu.memref_slice %arg3[%mul3A_247] : memref<500000xi32, #tpu.memory_space<hbm>> -> memref<160xi32, #tpu.memory_space<hbm>>
          %dma_wait3A_252 = tpu.memref_slice %arg3[%mul3A_247] : memref<500000xi32, #tpu.memory_space<hbm>> -> memref<160xi32, #tpu.memory_space<hbm>>
          tpu.wait_dma2 semaphore(%run_scoped3A : memref<!tpu.dma_semaphore, #tpu.memory_space<semaphore_mem>>) src(%dma_wait3A_252 : memref<160xi32, #tpu.memory_space<hbm>>) dst(%arg5 : memref<160xi32, #tpu.memory_space<vmem>>)
          tpu.yield
        }) : () -> ()
        %dma_start3A = arith.constant 0 : i32
        %dma_start3A_248 = arith.constant 0 : i32
        %dma_start3A_249 = tpu.memref_slice %arg2[%dma_start3A, %dma_start3A_248] : memref<100000x128xf32, #tpu.memory_space<hbm>> -> memref<100000x128xf32, #tpu.memory_space<hbm>>
        tpu.enqueue_indirect_dma source(%dma_start3A_249 : memref<100000x128xf32, #tpu.memory_space<hbm>>) target(%arg11 : memref<160x128xf32, #tpu.memory_space<vmem>>) offsets(%arg5 : memref<160xi32, #tpu.memory_space<vmem>>) semaphore(%arg17 : memref<!tpu.dma_semaphore, #tpu.memory_space<semaphore_mem>>)
      } else {
      }
      %ge3A_28 = arith.constant 3 : i32
      %ge3A_29 = arith.cmpi sge, %add3A_9, %ge3A_28 : i32
      %sub3A_30 = arith.constant 3 : i32
      %sub3A_31 = arith.subi %add3A_9, %sub3A_30 : i32
      %mul3A_32 = arith.constant 32 : i32
      %mul3A_33 = arith.muli %sub3A_31, %mul3A_32 : i32
      %add3A_34 = arith.addi %add3A, %mul3A_33 : i32
      %lt3A_35 = arith.constant 3125 : i32
      %lt3A_36 = arith.cmpi slt, %add3A_34, %lt3A_35 : i32
      %and3A_37 = arith.andi %ge3A_29, %lt3A_36 : i1
      %convert_element_type3A_38 = arith.extui %and3A_37 : i1 to i32
      %cond3A_39 = arith.constant 0 : i32
      %cond3A_40 = arith.cmpi ne, %convert_element_type3A_38, %cond3A_39 : i32
      scf.if %cond3A_40 {
        %sub3A_246 = arith.constant 3 : i32
        %sub3A_247 = arith.subi %add3A_9, %sub3A_246 : i32
        %mul3A_248 = arith.constant 32 : i32
        %mul3A_249 = arith.muli %sub3A_247, %mul3A_248 : i32
        %add3A_250 = arith.addi %add3A, %mul3A_249 : i32
        %dma_wait3A = arith.constant 0 : i32
        %dma_wait3A_251 = arith.constant 0 : i32
        %dma_wait3A_252 = tpu.memref_slice %arg2[%dma_wait3A, %dma_wait3A_251] : memref<100000x128xf32, #tpu.memory_space<hbm>> -> memref<100000x128xf32, #tpu.memory_space<hbm>>
        tpu.wait_indirect_dma semaphore(%arg20 : memref<!tpu.dma_semaphore, #tpu.memory_space<semaphore_mem>>) src(%dma_wait3A_252 : memref<100000x128xf32, #tpu.memory_space<hbm>>) dst(%arg14 : memref<160x128xf32, #tpu.memory_space<vmem>>)
        %mul3A_253 = arith.constant 160 : i32
        %mul3A_254 = arith.muli %add3A_250, %mul3A_253 : i32
        %dma_start3A = arith.constant 0 : i32
        %dma_start3A_255 = tpu.memref_slice %arg4[%mul3A_254, %dma_start3A] : memref<500000x128xf32, #tpu.memory_space<hbm>> -> memref<160x128xf32, #tpu.memory_space<hbm>>
        %dma_start3A_256 = arith.constant 0 : i32
        %dma_start3A_257 = tpu.memref_slice %arg4[%mul3A_254, %dma_start3A_256] : memref<500000x128xf32, #tpu.memory_space<hbm>> -> memref<160x128xf32, #tpu.memory_space<hbm>>
        tpu.enqueue_dma source(%arg14 : memref<160x128xf32, #tpu.memory_space<vmem>>) target(%dma_start3A_257 : memref<160x128xf32, #tpu.memory_space<hbm>>) target_semaphore(%arg26 : memref<!tpu.dma_semaphore, #tpu.memory_space<semaphore_mem>>)
      } else {
      }
      %mul3A_41 = arith.constant 6 : i32
      %mul3A_42 = arith.muli %scan3A_5, %mul3A_41 : i32
      %add3A_43 = arith.constant 1 : i32
      %add3A_44 = arith.addi %mul3A_42, %add3A_43 : i32
      %mul3A_45 = arith.constant 32 : i32
      %mul3A_46 = arith.muli %add3A_44, %mul3A_45 : i32
      %add3A_47 = arith.addi %add3A, %mul3A_46 : i32
      %ge3A_48 = arith.constant 6 : i32
      %ge3A_49 = arith.cmpi sge, %add3A_44, %ge3A_48 : i32
      %sub3A_50 = arith.constant 6 : i32
      %sub3A_51 = arith.subi %add3A_44, %sub3A_50 : i32
      %mul3A_52 = arith.constant 32 : i32
      %mul3A_53 = arith.muli %sub3A_51, %mul3A_52 : i32
      %add3A_54 = arith.addi %add3A, %mul3A_53 : i32
      %lt3A_55 = arith.constant 3125 : i32
      %lt3A_56 = arith.cmpi slt, %add3A_54, %lt3A_55 : i32
      %and3A_57 = arith.andi %ge3A_49, %lt3A_56 : i1
      %convert_element_type3A_58 = arith.extui %and3A_57 : i1 to i32
      %cond3A_59 = arith.constant 0 : i32
      %cond3A_60 = arith.cmpi ne, %convert_element_type3A_58, %cond3A_59 : i32
      scf.if %cond3A_60 {
        %sub3A_246 = arith.constant 6 : i32
        %sub3A_247 = arith.subi %add3A_44, %sub3A_246 : i32
        %mul3A_248 = arith.constant 32 : i32
        %mul3A_249 = arith.muli %sub3A_247, %mul3A_248 : i32
        %add3A_250 = arith.addi %add3A, %mul3A_249 : i32
        %mul3A_251 = arith.constant 160 : i32
        %mul3A_252 = arith.muli %add3A_250, %mul3A_251 : i32
        %dma_wait3A = arith.constant 0 : i32
        %dma_wait3A_253 = tpu.memref_slice %arg4[%mul3A_252, %dma_wait3A] : memref<500000x128xf32, #tpu.memory_space<hbm>> -> memref<160x128xf32, #tpu.memory_space<hbm>>
        %dma_wait3A_254 = arith.constant 0 : i32
        %dma_wait3A_255 = tpu.memref_slice %arg4[%mul3A_252, %dma_wait3A_254] : memref<500000x128xf32, #tpu.memory_space<hbm>> -> memref<160x128xf32, #tpu.memory_space<hbm>>
        tpu.wait_dma2 semaphore(%arg24 : memref<!tpu.dma_semaphore, #tpu.memory_space<semaphore_mem>>) src(%arg12 : memref<160x128xf32, #tpu.memory_space<vmem>>) dst(%dma_wait3A_255 : memref<160x128xf32, #tpu.memory_space<hbm>>)
      } else {
      }
      %lt3A_61 = arith.constant 98 : i32
      %lt3A_62 = arith.cmpi slt, %add3A_44, %lt3A_61 : i32
      %lt3A_63 = arith.constant 3125 : i32
      %lt3A_64 = arith.cmpi slt, %add3A_47, %lt3A_63 : i32
      %and3A_65 = arith.andi %lt3A_62, %lt3A_64 : i1
      %convert_element_type3A_66 = arith.extui %and3A_65 : i1 to i32
      %cond3A_67 = arith.constant 0 : i32
      %cond3A_68 = arith.cmpi ne, %convert_element_type3A_66, %cond3A_67 : i32
      scf.if %cond3A_68 {
        %mul3A_246 = arith.constant 160 : i32
        %mul3A_247 = arith.muli %add3A_47, %mul3A_246 : i32
        "tpu.region"() ({
          %run_scoped3A = tpu.sem_alloc : memref<!tpu.dma_semaphore, #tpu.memory_space<semaphore_mem>>
          %dma_start3A_250 = tpu.memref_slice %arg3[%mul3A_247] : memref<500000xi32, #tpu.memory_space<hbm>> -> memref<160xi32, #tpu.memory_space<hbm>>
          %dma_start3A_251 = tpu.memref_slice %arg3[%mul3A_247] : memref<500000xi32, #tpu.memory_space<hbm>> -> memref<160xi32, #tpu.memory_space<hbm>>
          tpu.enqueue_dma source(%dma_start3A_251 : memref<160xi32, #tpu.memory_space<hbm>>) target(%arg6 : memref<160xi32, #tpu.memory_space<vmem>>) target_semaphore(%run_scoped3A : memref<!tpu.dma_semaphore, #tpu.memory_space<semaphore_mem>>)
          %dma_wait3A = tpu.memref_slice %arg3[%mul3A_247] : memref<500000xi32, #tpu.memory_space<hbm>> -> memref<160xi32, #tpu.memory_space<hbm>>
          %dma_wait3A_252 = tpu.memref_slice %arg3[%mul3A_247] : memref<500000xi32, #tpu.memory_space<hbm>> -> memref<160xi32, #tpu.memory_space<hbm>>
          tpu.wait_dma2 semaphore(%run_scoped3A : memref<!tpu.dma_semaphore, #tpu.memory_space<semaphore_mem>>) src(%dma_wait3A_252 : memref<160xi32, #tpu.memory_space<hbm>>) dst(%arg6 : memref<160xi32, #tpu.memory_space<vmem>>)
          tpu.yield
        }) : () -> ()
        %dma_start3A = arith.constant 0 : i32
        %dma_start3A_248 = arith.constant 0 : i32
        %dma_start3A_249 = tpu.memref_slice %arg2[%dma_start3A, %dma_start3A_248] : memref<100000x128xf32, #tpu.memory_space<hbm>> -> memref<100000x128xf32, #tpu.memory_space<hbm>>
        tpu.enqueue_indirect_dma source(%dma_start3A_249 : memref<100000x128xf32, #tpu.memory_space<hbm>>) target(%arg12 : memref<160x128xf32, #tpu.memory_space<vmem>>) offsets(%arg6 : memref<160xi32, #tpu.memory_space<vmem>>) semaphore(%arg18 : memref<!tpu.dma_semaphore, #tpu.memory_space<semaphore_mem>>)
      } else {
      }
      %ge3A_69 = arith.constant 3 : i32
      %ge3A_70 = arith.cmpi sge, %add3A_44, %ge3A_69 : i32
      %sub3A_71 = arith.constant 3 : i32
      %sub3A_72 = arith.subi %add3A_44, %sub3A_71 : i32
      %mul3A_73 = arith.constant 32 : i32
      %mul3A_74 = arith.muli %sub3A_72, %mul3A_73 : i32
      %add3A_75 = arith.addi %add3A, %mul3A_74 : i32
      %lt3A_76 = arith.constant 3125 : i32
      %lt3A_77 = arith.cmpi slt, %add3A_75, %lt3A_76 : i32
      %and3A_78 = arith.andi %ge3A_70, %lt3A_77 : i1
      %convert_element_type3A_79 = arith.extui %and3A_78 : i1 to i32
      %cond3A_80 = arith.constant 0 : i32
      %cond3A_81 = arith.cmpi ne, %convert_element_type3A_79, %cond3A_80 : i32
      scf.if %cond3A_81 {
        %sub3A_246 = arith.constant 3 : i32
        %sub3A_247 = arith.subi %add3A_44, %sub3A_246 : i32
        %mul3A_248 = arith.constant 32 : i32
        %mul3A_249 = arith.muli %sub3A_247, %mul3A_248 : i32
        %add3A_250 = arith.addi %add3A, %mul3A_249 : i32
        %dma_wait3A = arith.constant 0 : i32
        %dma_wait3A_251 = arith.constant 0 : i32
        %dma_wait3A_252 = tpu.memref_slice %arg2[%dma_wait3A, %dma_wait3A_251] : memref<100000x128xf32, #tpu.memory_space<hbm>> -> memref<100000x128xf32, #tpu.memory_space<hbm>>
        tpu.wait_indirect_dma semaphore(%arg21 : memref<!tpu.dma_semaphore, #tpu.memory_space<semaphore_mem>>) src(%dma_wait3A_252 : memref<100000x128xf32, #tpu.memory_space<hbm>>) dst(%arg15 : memref<160x128xf32, #tpu.memory_space<vmem>>)
        %mul3A_253 = arith.constant 160 : i32
        %mul3A_254 = arith.muli %add3A_250, %mul3A_253 : i32
        %dma_start3A = arith.constant 0 : i32
        %dma_start3A_255 = tpu.memref_slice %arg4[%mul3A_254, %dma_start3A] : memref<500000x128xf32, #tpu.memory_space<hbm>> -> memref<160x128xf32, #tpu.memory_space<hbm>>
        %dma_start3A_256 = arith.constant 0 : i32
        %dma_start3A_257 = tpu.memref_slice %arg4[%mul3A_254, %dma_start3A_256] : memref<500000x128xf32, #tpu.memory_space<hbm>> -> memref<160x128xf32, #tpu.memory_space<hbm>>
        tpu.enqueue_dma source(%arg15 : memref<160x128xf32, #tpu.memory_space<vmem>>) target(%dma_start3A_257 : memref<160x128xf32, #tpu.memory_space<hbm>>) target_semaphore(%arg27 : memref<!tpu.dma_semaphore, #tpu.memory_space<semaphore_mem>>)
      } else {
      }
      %mul3A_82 = arith.constant 6 : i32
      %mul3A_83 = arith.muli %scan3A_5, %mul3A_82 : i32
      %add3A_84 = arith.constant 2 : i32
      %add3A_85 = arith.addi %mul3A_83, %add3A_84 : i32
      %mul3A_86 = arith.constant 32 : i32
      %mul3A_87 = arith.muli %add3A_85, %mul3A_86 : i32
      %add3A_88 = arith.addi %add3A, %mul3A_87 : i32
      %ge3A_89 = arith.constant 6 : i32
      %ge3A_90 = arith.cmpi sge, %add3A_85, %ge3A_89 : i32
      %sub3A_91 = arith.constant 6 : i32
      %sub3A_92 = arith.subi %add3A_85, %sub3A_91 : i32
      %mul3A_93 = arith.constant 32 : i32
      %mul3A_94 = arith.muli %sub3A_92, %mul3A_93 : i32
      %add3A_95 = arith.addi %add3A, %mul3A_94 : i32
      %lt3A_96 = arith.constant 3125 : i32
      %lt3A_97 = arith.cmpi slt, %add3A_95, %lt3A_96 : i32
      %and3A_98 = arith.andi %ge3A_90, %lt3A_97 : i1
      %convert_element_type3A_99 = arith.extui %and3A_98 : i1 to i32
      %cond3A_100 = arith.constant 0 : i32
      %cond3A_101 = arith.cmpi ne, %convert_element_type3A_99, %cond3A_100 : i32
      scf.if %cond3A_101 {
        %sub3A_246 = arith.constant 6 : i32
        %sub3A_247 = arith.subi %add3A_85, %sub3A_246 : i32
        %mul3A_248 = arith.constant 32 : i32
        %mul3A_249 = arith.muli %sub3A_247, %mul3A_248 : i32
        %add3A_250 = arith.addi %add3A, %mul3A_249 : i32
        %mul3A_251 = arith.constant 160 : i32
        %mul3A_252 = arith.muli %add3A_250, %mul3A_251 : i32
        %dma_wait3A = arith.constant 0 : i32
        %dma_wait3A_253 = tpu.memref_slice %arg4[%mul3A_252, %dma_wait3A] : memref<500000x128xf32, #tpu.memory_space<hbm>> -> memref<160x128xf32, #tpu.memory_space<hbm>>
        %dma_wait3A_254 = arith.constant 0 : i32
        %dma_wait3A_255 = tpu.memref_slice %arg4[%mul3A_252, %dma_wait3A_254] : memref<500000x128xf32, #tpu.memory_space<hbm>> -> memref<160x128xf32, #tpu.memory_space<hbm>>
        tpu.wait_dma2 semaphore(%arg25 : memref<!tpu.dma_semaphore, #tpu.memory_space<semaphore_mem>>) src(%arg13 : memref<160x128xf32, #tpu.memory_space<vmem>>) dst(%dma_wait3A_255 : memref<160x128xf32, #tpu.memory_space<hbm>>)
      } else {
      }
      %lt3A_102 = arith.constant 98 : i32
      %lt3A_103 = arith.cmpi slt, %add3A_85, %lt3A_102 : i32
      %lt3A_104 = arith.constant 3125 : i32
      %lt3A_105 = arith.cmpi slt, %add3A_88, %lt3A_104 : i32
      %and3A_106 = arith.andi %lt3A_103, %lt3A_105 : i1
      %convert_element_type3A_107 = arith.extui %and3A_106 : i1 to i32
      %cond3A_108 = arith.constant 0 : i32
      %cond3A_109 = arith.cmpi ne, %convert_element_type3A_107, %cond3A_108 : i32
      scf.if %cond3A_109 {
        %mul3A_246 = arith.constant 160 : i32
        %mul3A_247 = arith.muli %add3A_88, %mul3A_246 : i32
        "tpu.region"() ({
          %run_scoped3A = tpu.sem_alloc : memref<!tpu.dma_semaphore, #tpu.memory_space<semaphore_mem>>
          %dma_start3A_250 = tpu.memref_slice %arg3[%mul3A_247] : memref<500000xi32, #tpu.memory_space<hbm>> -> memref<160xi32, #tpu.memory_space<hbm>>
          %dma_start3A_251 = tpu.memref_slice %arg3[%mul3A_247] : memref<500000xi32, #tpu.memory_space<hbm>> -> memref<160xi32, #tpu.memory_space<hbm>>
          tpu.enqueue_dma source(%dma_start3A_251 : memref<160xi32, #tpu.memory_space<hbm>>) target(%arg7 : memref<160xi32, #tpu.memory_space<vmem>>) target_semaphore(%run_scoped3A : memref<!tpu.dma_semaphore, #tpu.memory_space<semaphore_mem>>)
          %dma_wait3A = tpu.memref_slice %arg3[%mul3A_247] : memref<500000xi32, #tpu.memory_space<hbm>> -> memref<160xi32, #tpu.memory_space<hbm>>
          %dma_wait3A_252 = tpu.memref_slice %arg3[%mul3A_247] : memref<500000xi32, #tpu.memory_space<hbm>> -> memref<160xi32, #tpu.memory_space<hbm>>
          tpu.wait_dma2 semaphore(%run_scoped3A : memref<!tpu.dma_semaphore, #tpu.memory_space<semaphore_mem>>) src(%dma_wait3A_252 : memref<160xi32, #tpu.memory_space<hbm>>) dst(%arg7 : memref<160xi32, #tpu.memory_space<vmem>>)
          tpu.yield
        }) : () -> ()
        %dma_start3A = arith.constant 0 : i32
        %dma_start3A_248 = arith.constant 0 : i32
        %dma_start3A_249 = tpu.memref_slice %arg2[%dma_start3A, %dma_start3A_248] : memref<100000x128xf32, #tpu.memory_space<hbm>> -> memref<100000x128xf32, #tpu.memory_space<hbm>>
        tpu.enqueue_indirect_dma source(%dma_start3A_249 : memref<100000x128xf32, #tpu.memory_space<hbm>>) target(%arg13 : memref<160x128xf32, #tpu.memory_space<vmem>>) offsets(%arg7 : memref<160xi32, #tpu.memory_space<vmem>>) semaphore(%arg19 : memref<!tpu.dma_semaphore, #tpu.memory_space<semaphore_mem>>)
      } else {
      }
      %ge3A_110 = arith.constant 3 : i32
      %ge3A_111 = arith.cmpi sge, %add3A_85, %ge3A_110 : i32
      %sub3A_112 = arith.constant 3 : i32
      %sub3A_113 = arith.subi %add3A_85, %sub3A_112 : i32
      %mul3A_114 = arith.constant 32 : i32
      %mul3A_115 = arith.muli %sub3A_113, %mul3A_114 : i32
      %add3A_116 = arith.addi %add3A, %mul3A_115 : i32
      %lt3A_117 = arith.constant 3125 : i32
      %lt3A_118 = arith.cmpi slt, %add3A_116, %lt3A_117 : i32
      %and3A_119 = arith.andi %ge3A_111, %lt3A_118 : i1
      %convert_element_type3A_120 = arith.extui %and3A_119 : i1 to i32
      %cond3A_121 = arith.constant 0 : i32
      %cond3A_122 = arith.cmpi ne, %convert_element_type3A_120, %cond3A_121 : i32
      scf.if %cond3A_122 {
        %sub3A_246 = arith.constant 3 : i32
        %sub3A_247 = arith.subi %add3A_85, %sub3A_246 : i32
        %mul3A_248 = arith.constant 32 : i32
        %mul3A_249 = arith.muli %sub3A_247, %mul3A_248 : i32
        %add3A_250 = arith.addi %add3A, %mul3A_249 : i32
        %dma_wait3A = arith.constant 0 : i32
        %dma_wait3A_251 = arith.constant 0 : i32
        %dma_wait3A_252 = tpu.memref_slice %arg2[%dma_wait3A, %dma_wait3A_251] : memref<100000x128xf32, #tpu.memory_space<hbm>> -> memref<100000x128xf32, #tpu.memory_space<hbm>>
        tpu.wait_indirect_dma semaphore(%arg22 : memref<!tpu.dma_semaphore, #tpu.memory_space<semaphore_mem>>) src(%dma_wait3A_252 : memref<100000x128xf32, #tpu.memory_space<hbm>>) dst(%arg16 : memref<160x128xf32, #tpu.memory_space<vmem>>)
        %mul3A_253 = arith.constant 160 : i32
        %mul3A_254 = arith.muli %add3A_250, %mul3A_253 : i32
        %dma_start3A = arith.constant 0 : i32
        %dma_start3A_255 = tpu.memref_slice %arg4[%mul3A_254, %dma_start3A] : memref<500000x128xf32, #tpu.memory_space<hbm>> -> memref<160x128xf32, #tpu.memory_space<hbm>>
        %dma_start3A_256 = arith.constant 0 : i32
        %dma_start3A_257 = tpu.memref_slice %arg4[%mul3A_254, %dma_start3A_256] : memref<500000x128xf32, #tpu.memory_space<hbm>> -> memref<160x128xf32, #tpu.memory_space<hbm>>
        tpu.enqueue_dma source(%arg16 : memref<160x128xf32, #tpu.memory_space<vmem>>) target(%dma_start3A_257 : memref<160x128xf32, #tpu.memory_space<hbm>>) target_semaphore(%arg28 : memref<!tpu.dma_semaphore, #tpu.memory_space<semaphore_mem>>)
      } else {
      }
      %mul3A_123 = arith.constant 6 : i32
      %mul3A_124 = arith.muli %scan3A_5, %mul3A_123 : i32
      %add3A_125 = arith.constant 3 : i32
      %add3A_126 = arith.addi %mul3A_124, %add3A_125 : i32
      %mul3A_127 = arith.constant 32 : i32
      %mul3A_128 = arith.muli %add3A_126, %mul3A_127 : i32
      %add3A_129 = arith.addi %add3A, %mul3A_128 : i32
      %ge3A_130 = arith.constant 6 : i32
      %ge3A_131 = arith.cmpi sge, %add3A_126, %ge3A_130 : i32
      %sub3A_132 = arith.constant 6 : i32
      %sub3A_133 = arith.subi %add3A_126, %sub3A_132 : i32
      %mul3A_134 = arith.constant 32 : i32
      %mul3A_135 = arith.muli %sub3A_133, %mul3A_134 : i32
      %add3A_136 = arith.addi %add3A, %mul3A_135 : i32
      %lt3A_137 = arith.constant 3125 : i32
      %lt3A_138 = arith.cmpi slt, %add3A_136, %lt3A_137 : i32
      %and3A_139 = arith.andi %ge3A_131, %lt3A_138 : i1
      %convert_element_type3A_140 = arith.extui %and3A_139 : i1 to i32
      %cond3A_141 = arith.constant 0 : i32
      %cond3A_142 = arith.cmpi ne, %convert_element_type3A_140, %cond3A_141 : i32
      scf.if %cond3A_142 {
        %sub3A_246 = arith.constant 6 : i32
        %sub3A_247 = arith.subi %add3A_126, %sub3A_246 : i32
        %mul3A_248 = arith.constant 32 : i32
        %mul3A_249 = arith.muli %sub3A_247, %mul3A_248 : i32
        %add3A_250 = arith.addi %add3A, %mul3A_249 : i32
        %mul3A_251 = arith.constant 160 : i32
        %mul3A_252 = arith.muli %add3A_250, %mul3A_251 : i32
        %dma_wait3A = arith.constant 0 : i32
        %dma_wait3A_253 = tpu.memref_slice %arg4[%mul3A_252, %dma_wait3A] : memref<500000x128xf32, #tpu.memory_space<hbm>> -> memref<160x128xf32, #tpu.memory_space<hbm>>
        %dma_wait3A_254 = arith.constant 0 : i32
        %dma_wait3A_255 = tpu.memref_slice %arg4[%mul3A_252, %dma_wait3A_254] : memref<500000x128xf32, #tpu.memory_space<hbm>> -> memref<160x128xf32, #tpu.memory_space<hbm>>
        tpu.wait_dma2 semaphore(%arg26 : memref<!tpu.dma_semaphore, #tpu.memory_space<semaphore_mem>>) src(%arg14 : memref<160x128xf32, #tpu.memory_space<vmem>>) dst(%dma_wait3A_255 : memref<160x128xf32, #tpu.memory_space<hbm>>)
      } else {
      }
      %lt3A_143 = arith.constant 98 : i32
      %lt3A_144 = arith.cmpi slt, %add3A_126, %lt3A_143 : i32
      %lt3A_145 = arith.constant 3125 : i32
      %lt3A_146 = arith.cmpi slt, %add3A_129, %lt3A_145 : i32
      %and3A_147 = arith.andi %lt3A_144, %lt3A_146 : i1
      %convert_element_type3A_148 = arith.extui %and3A_147 : i1 to i32
      %cond3A_149 = arith.constant 0 : i32
      %cond3A_150 = arith.cmpi ne, %convert_element_type3A_148, %cond3A_149 : i32
      scf.if %cond3A_150 {
        %mul3A_246 = arith.constant 160 : i32
        %mul3A_247 = arith.muli %add3A_129, %mul3A_246 : i32
        "tpu.region"() ({
          %run_scoped3A = tpu.sem_alloc : memref<!tpu.dma_semaphore, #tpu.memory_space<semaphore_mem>>
          %dma_start3A_250 = tpu.memref_slice %arg3[%mul3A_247] : memref<500000xi32, #tpu.memory_space<hbm>> -> memref<160xi32, #tpu.memory_space<hbm>>
          %dma_start3A_251 = tpu.memref_slice %arg3[%mul3A_247] : memref<500000xi32, #tpu.memory_space<hbm>> -> memref<160xi32, #tpu.memory_space<hbm>>
          tpu.enqueue_dma source(%dma_start3A_251 : memref<160xi32, #tpu.memory_space<hbm>>) target(%arg8 : memref<160xi32, #tpu.memory_space<vmem>>) target_semaphore(%run_scoped3A : memref<!tpu.dma_semaphore, #tpu.memory_space<semaphore_mem>>)
          %dma_wait3A = tpu.memref_slice %arg3[%mul3A_247] : memref<500000xi32, #tpu.memory_space<hbm>> -> memref<160xi32, #tpu.memory_space<hbm>>
          %dma_wait3A_252 = tpu.memref_slice %arg3[%mul3A_247] : memref<500000xi32, #tpu.memory_space<hbm>> -> memref<160xi32, #tpu.memory_space<hbm>>
          tpu.wait_dma2 semaphore(%run_scoped3A : memref<!tpu.dma_semaphore, #tpu.memory_space<semaphore_mem>>) src(%dma_wait3A_252 : memref<160xi32, #tpu.memory_space<hbm>>) dst(%arg8 : memref<160xi32, #tpu.memory_space<vmem>>)
          tpu.yield
        }) : () -> ()
        %dma_start3A = arith.constant 0 : i32
        %dma_start3A_248 = arith.constant 0 : i32
        %dma_start3A_249 = tpu.memref_slice %arg2[%dma_start3A, %dma_start3A_248] : memref<100000x128xf32, #tpu.memory_space<hbm>> -> memref<100000x128xf32, #tpu.memory_space<hbm>>
        tpu.enqueue_indirect_dma source(%dma_start3A_249 : memref<100000x128xf32, #tpu.memory_space<hbm>>) target(%arg14 : memref<160x128xf32, #tpu.memory_space<vmem>>) offsets(%arg8 : memref<160xi32, #tpu.memory_space<vmem>>) semaphore(%arg20 : memref<!tpu.dma_semaphore, #tpu.memory_space<semaphore_mem>>)
      } else {
      }
      %ge3A_151 = arith.constant 3 : i32
      %ge3A_152 = arith.cmpi sge, %add3A_126, %ge3A_151 : i32
      %sub3A_153 = arith.constant 3 : i32
      %sub3A_154 = arith.subi %add3A_126, %sub3A_153 : i32
      %mul3A_155 = arith.constant 32 : i32
      %mul3A_156 = arith.muli %sub3A_154, %mul3A_155 : i32
      %add3A_157 = arith.addi %add3A, %mul3A_156 : i32
      %lt3A_158 = arith.constant 3125 : i32
      %lt3A_159 = arith.cmpi slt, %add3A_157, %lt3A_158 : i32
      %and3A_160 = arith.andi %ge3A_152, %lt3A_159 : i1
      %convert_element_type3A_161 = arith.extui %and3A_160 : i1 to i32
      %cond3A_162 = arith.constant 0 : i32
      %cond3A_163 = arith.cmpi ne, %convert_element_type3A_161, %cond3A_162 : i32
      scf.if %cond3A_163 {
        %sub3A_246 = arith.constant 3 : i32
        %sub3A_247 = arith.subi %add3A_126, %sub3A_246 : i32
        %mul3A_248 = arith.constant 32 : i32
        %mul3A_249 = arith.muli %sub3A_247, %mul3A_248 : i32
        %add3A_250 = arith.addi %add3A, %mul3A_249 : i32
        %dma_wait3A = arith.constant 0 : i32
        %dma_wait3A_251 = arith.constant 0 : i32
        %dma_wait3A_252 = tpu.memref_slice %arg2[%dma_wait3A, %dma_wait3A_251] : memref<100000x128xf32, #tpu.memory_space<hbm>> -> memref<100000x128xf32, #tpu.memory_space<hbm>>
        tpu.wait_indirect_dma semaphore(%arg17 : memref<!tpu.dma_semaphore, #tpu.memory_space<semaphore_mem>>) src(%dma_wait3A_252 : memref<100000x128xf32, #tpu.memory_space<hbm>>) dst(%arg11 : memref<160x128xf32, #tpu.memory_space<vmem>>)
        %mul3A_253 = arith.constant 160 : i32
        %mul3A_254 = arith.muli %add3A_250, %mul3A_253 : i32
        %dma_start3A = arith.constant 0 : i32
        %dma_start3A_255 = tpu.memref_slice %arg4[%mul3A_254, %dma_start3A] : memref<500000x128xf32, #tpu.memory_space<hbm>> -> memref<160x128xf32, #tpu.memory_space<hbm>>
        %dma_start3A_256 = arith.constant 0 : i32
        %dma_start3A_257 = tpu.memref_slice %arg4[%mul3A_254, %dma_start3A_256] : memref<500000x128xf32, #tpu.memory_space<hbm>> -> memref<160x128xf32, #tpu.memory_space<hbm>>
        tpu.enqueue_dma source(%arg11 : memref<160x128xf32, #tpu.memory_space<vmem>>) target(%dma_start3A_257 : memref<160x128xf32, #tpu.memory_space<hbm>>) target_semaphore(%arg23 : memref<!tpu.dma_semaphore, #tpu.memory_space<semaphore_mem>>)
      } else {
      }
      %mul3A_164 = arith.constant 6 : i32
      %mul3A_165 = arith.muli %scan3A_5, %mul3A_164 : i32
      %add3A_166 = arith.constant 4 : i32
      %add3A_167 = arith.addi %mul3A_165, %add3A_166 : i32
      %mul3A_168 = arith.constant 32 : i32
      %mul3A_169 = arith.muli %add3A_167, %mul3A_168 : i32
      %add3A_170 = arith.addi %add3A, %mul3A_169 : i32
      %ge3A_171 = arith.constant 6 : i32
      %ge3A_172 = arith.cmpi sge, %add3A_167, %ge3A_171 : i32
      %sub3A_173 = arith.constant 6 : i32
      %sub3A_174 = arith.subi %add3A_167, %sub3A_173 : i32
      %mul3A_175 = arith.constant 32 : i32
      %mul3A_176 = arith.muli %sub3A_174, %mul3A_175 : i32
      %add3A_177 = arith.addi %add3A, %mul3A_176 : i32
      %lt3A_178 = arith.constant 3125 : i32
      %lt3A_179 = arith.cmpi slt, %add3A_177, %lt3A_178 : i32
      %and3A_180 = arith.andi %ge3A_172, %lt3A_179 : i1
      %convert_element_type3A_181 = arith.extui %and3A_180 : i1 to i32
      %cond3A_182 = arith.constant 0 : i32
      %cond3A_183 = arith.cmpi ne, %convert_element_type3A_181, %cond3A_182 : i32
      scf.if %cond3A_183 {
        %sub3A_246 = arith.constant 6 : i32
        %sub3A_247 = arith.subi %add3A_167, %sub3A_246 : i32
        %mul3A_248 = arith.constant 32 : i32
        %mul3A_249 = arith.muli %sub3A_247, %mul3A_248 : i32
        %add3A_250 = arith.addi %add3A, %mul3A_249 : i32
        %mul3A_251 = arith.constant 160 : i32
        %mul3A_252 = arith.muli %add3A_250, %mul3A_251 : i32
        %dma_wait3A = arith.constant 0 : i32
        %dma_wait3A_253 = tpu.memref_slice %arg4[%mul3A_252, %dma_wait3A] : memref<500000x128xf32, #tpu.memory_space<hbm>> -> memref<160x128xf32, #tpu.memory_space<hbm>>
        %dma_wait3A_254 = arith.constant 0 : i32
        %dma_wait3A_255 = tpu.memref_slice %arg4[%mul3A_252, %dma_wait3A_254] : memref<500000x128xf32, #tpu.memory_space<hbm>> -> memref<160x128xf32, #tpu.memory_space<hbm>>
        tpu.wait_dma2 semaphore(%arg27 : memref<!tpu.dma_semaphore, #tpu.memory_space<semaphore_mem>>) src(%arg15 : memref<160x128xf32, #tpu.memory_space<vmem>>) dst(%dma_wait3A_255 : memref<160x128xf32, #tpu.memory_space<hbm>>)
      } else {
      }
      %lt3A_184 = arith.constant 98 : i32
      %lt3A_185 = arith.cmpi slt, %add3A_167, %lt3A_184 : i32
      %lt3A_186 = arith.constant 3125 : i32
      %lt3A_187 = arith.cmpi slt, %add3A_170, %lt3A_186 : i32
      %and3A_188 = arith.andi %lt3A_185, %lt3A_187 : i1
      %convert_element_type3A_189 = arith.extui %and3A_188 : i1 to i32
      %cond3A_190 = arith.constant 0 : i32
      %cond3A_191 = arith.cmpi ne, %convert_element_type3A_189, %cond3A_190 : i32
      scf.if %cond3A_191 {
        %mul3A_246 = arith.constant 160 : i32
        %mul3A_247 = arith.muli %add3A_170, %mul3A_246 : i32
        "tpu.region"() ({
          %run_scoped3A = tpu.sem_alloc : memref<!tpu.dma_semaphore, #tpu.memory_space<semaphore_mem>>
          %dma_start3A_250 = tpu.memref_slice %arg3[%mul3A_247] : memref<500000xi32, #tpu.memory_space<hbm>> -> memref<160xi32, #tpu.memory_space<hbm>>
          %dma_start3A_251 = tpu.memref_slice %arg3[%mul3A_247] : memref<500000xi32, #tpu.memory_space<hbm>> -> memref<160xi32, #tpu.memory_space<hbm>>
          tpu.enqueue_dma source(%dma_start3A_251 : memref<160xi32, #tpu.memory_space<hbm>>) target(%arg9 : memref<160xi32, #tpu.memory_space<vmem>>) target_semaphore(%run_scoped3A : memref<!tpu.dma_semaphore, #tpu.memory_space<semaphore_mem>>)
          %dma_wait3A = tpu.memref_slice %arg3[%mul3A_247] : memref<500000xi32, #tpu.memory_space<hbm>> -> memref<160xi32, #tpu.memory_space<hbm>>
          %dma_wait3A_252 = tpu.memref_slice %arg3[%mul3A_247] : memref<500000xi32, #tpu.memory_space<hbm>> -> memref<160xi32, #tpu.memory_space<hbm>>
          tpu.wait_dma2 semaphore(%run_scoped3A : memref<!tpu.dma_semaphore, #tpu.memory_space<semaphore_mem>>) src(%dma_wait3A_252 : memref<160xi32, #tpu.memory_space<hbm>>) dst(%arg9 : memref<160xi32, #tpu.memory_space<vmem>>)
          tpu.yield
        }) : () -> ()
        %dma_start3A = arith.constant 0 : i32
        %dma_start3A_248 = arith.constant 0 : i32
        %dma_start3A_249 = tpu.memref_slice %arg2[%dma_start3A, %dma_start3A_248] : memref<100000x128xf32, #tpu.memory_space<hbm>> -> memref<100000x128xf32, #tpu.memory_space<hbm>>
        tpu.enqueue_indirect_dma source(%dma_start3A_249 : memref<100000x128xf32, #tpu.memory_space<hbm>>) target(%arg15 : memref<160x128xf32, #tpu.memory_space<vmem>>) offsets(%arg9 : memref<160xi32, #tpu.memory_space<vmem>>) semaphore(%arg21 : memref<!tpu.dma_semaphore, #tpu.memory_space<semaphore_mem>>)
      } else {
      }
      %ge3A_192 = arith.constant 3 : i32
      %ge3A_193 = arith.cmpi sge, %add3A_167, %ge3A_192 : i32
      %sub3A_194 = arith.constant 3 : i32
      %sub3A_195 = arith.subi %add3A_167, %sub3A_194 : i32
      %mul3A_196 = arith.constant 32 : i32
      %mul3A_197 = arith.muli %sub3A_195, %mul3A_196 : i32
      %add3A_198 = arith.addi %add3A, %mul3A_197 : i32
      %lt3A_199 = arith.constant 3125 : i32
      %lt3A_200 = arith.cmpi slt, %add3A_198, %lt3A_199 : i32
      %and3A_201 = arith.andi %ge3A_193, %lt3A_200 : i1
      %convert_element_type3A_202 = arith.extui %and3A_201 : i1 to i32
      %cond3A_203 = arith.constant 0 : i32
      %cond3A_204 = arith.cmpi ne, %convert_element_type3A_202, %cond3A_203 : i32
      scf.if %cond3A_204 {
        %sub3A_246 = arith.constant 3 : i32
        %sub3A_247 = arith.subi %add3A_167, %sub3A_246 : i32
        %mul3A_248 = arith.constant 32 : i32
        %mul3A_249 = arith.muli %sub3A_247, %mul3A_248 : i32
        %add3A_250 = arith.addi %add3A, %mul3A_249 : i32
        %dma_wait3A = arith.constant 0 : i32
        %dma_wait3A_251 = arith.constant 0 : i32
        %dma_wait3A_252 = tpu.memref_slice %arg2[%dma_wait3A, %dma_wait3A_251] : memref<100000x128xf32, #tpu.memory_space<hbm>> -> memref<100000x128xf32, #tpu.memory_space<hbm>>
        tpu.wait_indirect_dma semaphore(%arg18 : memref<!tpu.dma_semaphore, #tpu.memory_space<semaphore_mem>>) src(%dma_wait3A_252 : memref<100000x128xf32, #tpu.memory_space<hbm>>) dst(%arg12 : memref<160x128xf32, #tpu.memory_space<vmem>>)
        %mul3A_253 = arith.constant 160 : i32
        %mul3A_254 = arith.muli %add3A_250, %mul3A_253 : i32
        %dma_start3A = arith.constant 0 : i32
        %dma_start3A_255 = tpu.memref_slice %arg4[%mul3A_254, %dma_start3A] : memref<500000x128xf32, #tpu.memory_space<hbm>> -> memref<160x128xf32, #tpu.memory_space<hbm>>
        %dma_start3A_256 = arith.constant 0 : i32
        %dma_start3A_257 = tpu.memref_slice %arg4[%mul3A_254, %dma_start3A_256] : memref<500000x128xf32, #tpu.memory_space<hbm>> -> memref<160x128xf32, #tpu.memory_space<hbm>>
        tpu.enqueue_dma source(%arg12 : memref<160x128xf32, #tpu.memory_space<vmem>>) target(%dma_start3A_257 : memref<160x128xf32, #tpu.memory_space<hbm>>) target_semaphore(%arg24 : memref<!tpu.dma_semaphore, #tpu.memory_space<semaphore_mem>>)
      } else {
      }
      %mul3A_205 = arith.constant 6 : i32
      %mul3A_206 = arith.muli %scan3A_5, %mul3A_205 : i32
      %add3A_207 = arith.constant 5 : i32
      %add3A_208 = arith.addi %mul3A_206, %add3A_207 : i32
      %mul3A_209 = arith.constant 32 : i32
      %mul3A_210 = arith.muli %add3A_208, %mul3A_209 : i32
      %add3A_211 = arith.addi %add3A, %mul3A_210 : i32
      %ge3A_212 = arith.constant 6 : i32
      %ge3A_213 = arith.cmpi sge, %add3A_208, %ge3A_212 : i32
      %sub3A_214 = arith.constant 6 : i32
      %sub3A_215 = arith.subi %add3A_208, %sub3A_214 : i32
      %mul3A_216 = arith.constant 32 : i32
      %mul3A_217 = arith.muli %sub3A_215, %mul3A_216 : i32
      %add3A_218 = arith.addi %add3A, %mul3A_217 : i32
      %lt3A_219 = arith.constant 3125 : i32
      %lt3A_220 = arith.cmpi slt, %add3A_218, %lt3A_219 : i32
      %and3A_221 = arith.andi %ge3A_213, %lt3A_220 : i1
      %convert_element_type3A_222 = arith.extui %and3A_221 : i1 to i32
      %cond3A_223 = arith.constant 0 : i32
      %cond3A_224 = arith.cmpi ne, %convert_element_type3A_222, %cond3A_223 : i32
      scf.if %cond3A_224 {
        %sub3A_246 = arith.constant 6 : i32
        %sub3A_247 = arith.subi %add3A_208, %sub3A_246 : i32
        %mul3A_248 = arith.constant 32 : i32
        %mul3A_249 = arith.muli %sub3A_247, %mul3A_248 : i32
        %add3A_250 = arith.addi %add3A, %mul3A_249 : i32
        %mul3A_251 = arith.constant 160 : i32
        %mul3A_252 = arith.muli %add3A_250, %mul3A_251 : i32
        %dma_wait3A = arith.constant 0 : i32
        %dma_wait3A_253 = tpu.memref_slice %arg4[%mul3A_252, %dma_wait3A] : memref<500000x128xf32, #tpu.memory_space<hbm>> -> memref<160x128xf32, #tpu.memory_space<hbm>>
        %dma_wait3A_254 = arith.constant 0 : i32
        %dma_wait3A_255 = tpu.memref_slice %arg4[%mul3A_252, %dma_wait3A_254] : memref<500000x128xf32, #tpu.memory_space<hbm>> -> memref<160x128xf32, #tpu.memory_space<hbm>>
        tpu.wait_dma2 semaphore(%arg28 : memref<!tpu.dma_semaphore, #tpu.memory_space<semaphore_mem>>) src(%arg16 : memref<160x128xf32, #tpu.memory_space<vmem>>) dst(%dma_wait3A_255 : memref<160x128xf32, #tpu.memory_space<hbm>>)
      } else {
      }
      %lt3A_225 = arith.constant 98 : i32
      %lt3A_226 = arith.cmpi slt, %add3A_208, %lt3A_225 : i32
      %lt3A_227 = arith.constant 3125 : i32
      %lt3A_228 = arith.cmpi slt, %add3A_211, %lt3A_227 : i32
      %and3A_229 = arith.andi %lt3A_226, %lt3A_228 : i1
      %convert_element_type3A_230 = arith.extui %and3A_229 : i1 to i32
      %cond3A_231 = arith.constant 0 : i32
      %cond3A_232 = arith.cmpi ne, %convert_element_type3A_230, %cond3A_231 : i32
      scf.if %cond3A_232 {
        %mul3A_246 = arith.constant 160 : i32
        %mul3A_247 = arith.muli %add3A_211, %mul3A_246 : i32
        "tpu.region"() ({
          %run_scoped3A = tpu.sem_alloc : memref<!tpu.dma_semaphore, #tpu.memory_space<semaphore_mem>>
          %dma_start3A_250 = tpu.memref_slice %arg3[%mul3A_247] : memref<500000xi32, #tpu.memory_space<hbm>> -> memref<160xi32, #tpu.memory_space<hbm>>
          %dma_start3A_251 = tpu.memref_slice %arg3[%mul3A_247] : memref<500000xi32, #tpu.memory_space<hbm>> -> memref<160xi32, #tpu.memory_space<hbm>>
          tpu.enqueue_dma source(%dma_start3A_251 : memref<160xi32, #tpu.memory_space<hbm>>) target(%arg10 : memref<160xi32, #tpu.memory_space<vmem>>) target_semaphore(%run_scoped3A : memref<!tpu.dma_semaphore, #tpu.memory_space<semaphore_mem>>)
          %dma_wait3A = tpu.memref_slice %arg3[%mul3A_247] : memref<500000xi32, #tpu.memory_space<hbm>> -> memref<160xi32, #tpu.memory_space<hbm>>
          %dma_wait3A_252 = tpu.memref_slice %arg3[%mul3A_247] : memref<500000xi32, #tpu.memory_space<hbm>> -> memref<160xi32, #tpu.memory_space<hbm>>
          tpu.wait_dma2 semaphore(%run_scoped3A : memref<!tpu.dma_semaphore, #tpu.memory_space<semaphore_mem>>) src(%dma_wait3A_252 : memref<160xi32, #tpu.memory_space<hbm>>) dst(%arg10 : memref<160xi32, #tpu.memory_space<vmem>>)
          tpu.yield
        }) : () -> ()
        %dma_start3A = arith.constant 0 : i32
        %dma_start3A_248 = arith.constant 0 : i32
        %dma_start3A_249 = tpu.memref_slice %arg2[%dma_start3A, %dma_start3A_248] : memref<100000x128xf32, #tpu.memory_space<hbm>> -> memref<100000x128xf32, #tpu.memory_space<hbm>>
        tpu.enqueue_indirect_dma source(%dma_start3A_249 : memref<100000x128xf32, #tpu.memory_space<hbm>>) target(%arg16 : memref<160x128xf32, #tpu.memory_space<vmem>>) offsets(%arg10 : memref<160xi32, #tpu.memory_space<vmem>>) semaphore(%arg22 : memref<!tpu.dma_semaphore, #tpu.memory_space<semaphore_mem>>)
      } else {
      }
      %ge3A_233 = arith.constant 3 : i32
      %ge3A_234 = arith.cmpi sge, %add3A_208, %ge3A_233 : i32
      %sub3A_235 = arith.constant 3 : i32
      %sub3A_236 = arith.subi %add3A_208, %sub3A_235 : i32
      %mul3A_237 = arith.constant 32 : i32
      %mul3A_238 = arith.muli %sub3A_236, %mul3A_237 : i32
      %add3A_239 = arith.addi %add3A, %mul3A_238 : i32
      %lt3A_240 = arith.constant 3125 : i32
      %lt3A_241 = arith.cmpi slt, %add3A_239, %lt3A_240 : i32
      %and3A_242 = arith.andi %ge3A_234, %lt3A_241 : i1
      %convert_element_type3A_243 = arith.extui %and3A_242 : i1 to i32
      %cond3A_244 = arith.constant 0 : i32
      %cond3A_245 = arith.cmpi ne, %convert_element_type3A_243, %cond3A_244 : i32
      scf.if %cond3A_245 {
        %sub3A_246 = arith.constant 3 : i32
        %sub3A_247 = arith.subi %add3A_208, %sub3A_246 : i32
        %mul3A_248 = arith.constant 32 : i32
        %mul3A_249 = arith.muli %sub3A_247, %mul3A_248 : i32
        %add3A_250 = arith.addi %add3A, %mul3A_249 : i32
        %dma_wait3A = arith.constant 0 : i32
        %dma_wait3A_251 = arith.constant 0 : i32
        %dma_wait3A_252 = tpu.memref_slice %arg2[%dma_wait3A, %dma_wait3A_251] : memref<100000x128xf32, #tpu.memory_space<hbm>> -> memref<100000x128xf32, #tpu.memory_space<hbm>>
        tpu.wait_indirect_dma semaphore(%arg19 : memref<!tpu.dma_semaphore, #tpu.memory_space<semaphore_mem>>) src(%dma_wait3A_252 : memref<100000x128xf32, #tpu.memory_space<hbm>>) dst(%arg13 : memref<160x128xf32, #tpu.memory_space<vmem>>)
        %mul3A_253 = arith.constant 160 : i32
        %mul3A_254 = arith.muli %add3A_250, %mul3A_253 : i32
        %dma_start3A = arith.constant 0 : i32
        %dma_start3A_255 = tpu.memref_slice %arg4[%mul3A_254, %dma_start3A] : memref<500000x128xf32, #tpu.memory_space<hbm>> -> memref<160x128xf32, #tpu.memory_space<hbm>>
        %dma_start3A_256 = arith.constant 0 : i32
        %dma_start3A_257 = tpu.memref_slice %arg4[%mul3A_254, %dma_start3A_256] : memref<500000x128xf32, #tpu.memory_space<hbm>> -> memref<160x128xf32, #tpu.memory_space<hbm>>
        tpu.enqueue_dma source(%arg13 : memref<160x128xf32, #tpu.memory_space<vmem>>) target(%dma_start3A_257 : memref<160x128xf32, #tpu.memory_space<hbm>>) target_semaphore(%arg25 : memref<!tpu.dma_semaphore, #tpu.memory_space<semaphore_mem>>)
      } else {
      }
    }
    %scan3A_4 = arith.constant 18 : i32
    return
  }
}

module attributes {stable_mosaic.version = 14 : i64} {
  func.func @_sum_body(%arg0: i32, %arg1: memref<10000x128xf32, #tpu.memory_space<vmem>>, %arg2: memref<10000x128xf32, #tpu.memory_space<vmem>>, %arg3: memref<10000x128xf32, #tpu.memory_space<vmem>>) attributes {dimension_semantics = [#tpu.dimension_semantics<arbitrary>], iteration_bounds = array<i64: 10>, scalar_prefetch = 0 : i64, scratch_operands = 0 : i64, tpu.core_type = #tpu.core_type<tc>, window_params = [{transform_indices = @transform_0, window_bounds = array<i64: 10000, 128>}, {transform_indices = @transform_1, window_bounds = array<i64: 10000, 128>}, {transform_indices = @transform_2, window_bounds = array<i64: 10000, 128>}]} {
    %get3A = arith.constant 0 : index
    %get3A_0 = arith.constant 0 : index
    %get3A_1 = vector.load %arg1[%get3A, %get3A_0] : memref<10000x128xf32, #tpu.memory_space<vmem>>, vector<10000x128xf32>
    %get3A_2 = arith.constant 0 : index
    %get3A_3 = arith.constant 0 : index
    %get3A_4 = vector.load %arg2[%get3A_2, %get3A_3] : memref<10000x128xf32, #tpu.memory_space<vmem>>, vector<10000x128xf32>
    %add3A = arith.addf %get3A_1, %get3A_4 : vector<10000x128xf32>
    %swap3A = arith.constant 0 : index
    %swap3A_5 = arith.constant 0 : index
    %swap3A_6 = vector.load %arg3[%swap3A, %swap3A_5] : memref<10000x128xf32, #tpu.memory_space<vmem>>, vector<10000x128xf32>
    tpu.vector_store %arg3[%swap3A, %swap3A_5], %add3A {strides = array<i32>} : memref<10000x128xf32, #tpu.memory_space<vmem>>, vector<10000x128xf32>,
    return
  }
  func.func @transform_0(%arg0: i32) -> (i32, i32) {
    %c0_i32 = arith.constant 0 : i32
    %c0_i32_0 = arith.constant 0 : i32
    return %arg0, %c0_i32 : i32, i32
  }
  func.func @transform_1(%arg0: i32) -> (i32, i32) {
    %c0_i32 = arith.constant 0 : i32
    %c0_i32_0 = arith.constant 0 : i32
    return %arg0, %c0_i32 : i32, i32
  }
  func.func @transform_2(%arg0: i32) -> (i32, i32) {
    %c0_i32 = arith.constant 0 : i32
    %c0_i32_0 = arith.constant 0 : i32
    return %arg0, %c0_i32 : i32, i32
  }
}

</mosaic_0001>

<sc_bundles>
// kernel: kernel.4.cloned.1.call-start
scs
__scs_entry_jumppad:
0x0: {  	(pc) =	sbr.rel $0x88, $3  }
0x1: {  	(tag) =	ssettag $0x0;
	lr =	simm.s32 $0x1  }
0x2: {  	[smem:$0x3F9E] =	sst lr;
	_ =	strace $0xD0000000  }
0x3: {  	_ = 	snop  }
0x4: {  	_ = 	snop  }
0x5: {  	_ = 	snop  }
0x6: {  	_ = 	snop  }
0x7: {  	_ = 	snop  }
__scs_overlays_trampoline_lowered:
0x8: {  	[smem:$0x3FAD] =	sst s0  }
0x9: {  	[smem:$0x3FAE] =	sst s1  }
0xa: {  	[smem:$0x3FAF] =	sst s2  }
0xb: {  	[smem:$0x3FB0] =	sst s3  }
0xc: {  	[smem:$0x3FB1] =	sst s4  }
0xd: {  	[smem:$0x3FB2] =	sst s5  }
0xe: {  	[smem:$0x3FB3] =	sst s6  }
0xf: {  	[smem:$0x3FB4] =	sst s7  }
0x10: {  	[smem:$0x3FB5] =	sst s8  }
0x11: {  	[smem:$0x3FB6] =	sst s9;
	s0 =	simm.s32 @!p0 $0x0  }
0x12: {  	s1 =	sld [smem:$0x3F9C];
	s0 =	simm.s32 @p0 $0x1  }
0x13: {  	[smem:$0x3FB7] =	sst s0;
	s0 =	simm.s32 @!p1 $0x0  }
0x14: {  	s2 =	sld [smem:$0x3F9B];
	s0 =	simm.s32 @p1 $0x1  }
0x15: {  	[smem:$0x3FB8] =	sst s0;
	s0 =	simm.s32 @!p2 $0x0  }
0x16: {  	s3 =	sld [smem:$0x3FDB];
	s0 =	simm.s32 @p2 $0x1  }
0x17: {  	s4 =	simm.s32 $0x1BF5;
	[smem:$0x3FBA] =	sst s0  }
0x18: {  	s0 =	sld [smem:$0x3F9D];
	_ =	swait.ge [sflag:s4], $0x0  }
0x19: {  	s7 =	sld [smem:$0x3F9E]  }
0x1a: {  	s8 =	sadd.s32 $0xFFFFE003, lr  }
0x1b: {  	s9 =	sadd.s32 $0xFFFFFEF7, lr;
	s5 =	simm.s32 $0xFFFFFFFF;
	p2 =	slt.u32 s8, $0xFFFFF086  }
0x1c: {  	p1 =	slt.u32 s9, $0xF7A;
	s5 =	simm.s32 @!p2 $0x0  }
0x1d: {  	s5 =	simm.s32 @p1 $0x1;
	p0 =	seq.s32 s7, s2  }
0x1e: {  	s7 =	smul.u32 @!p0 $0xF7A, s2;
	p2 =	seq.s32 @!p0 s5, $0x0  }
0x1f: {  	s9 =	smul.u32 $0xF7A, s1;
	s8 =	simm.s32 @!p0 $0x1BF5;
	p2 =	por !p2, p0  }
0x20: {  	[sflag:s8] =	ssyncset.s32 @!p0 $0xFFFFF086;
	s6 =	sadd.s32 @!p0 s3, s7;
	s7 =	simm.s32 @!p0 $0x108  }
0x21: {  	s3 =	sadd.s32 s3, s9;
	s6 =	sadd.s32 @!p0 $0x88, s6;
	s7 =	simm.s32 @p2 $0x1082  }
0x22: {  	[simem:s7], [sflag:s8] =	dma.local @!p0 [hbm:s6], $0xF7A  }
0x23: {  	s9 =	sor.u32 $0xD0000000, s2;
	s6 =	simm.s32 $0x108;
	_ =	swait.ge @!p0 [sflag:s8], $0x0  }
0x24: {  	s3 =	sadd.s32 $0x88, s3;
	s6 =	simm.s32 @!p1 $0x1082;
	[sflag:s4] =	ssyncset.s32 $0xFFFFF086  }
0x25: {  	[simem:s6], [sflag:s4] =	dma.local [hbm:s3], $0xF7A  }
0x26: {  	[smem:$0x3F9E] =	sst s1;
	(tag) =	ssettag s2;
	_ =	strace s9  }
0x27: {  	s1 =	sld [smem:$0x3FAE]  }
0x28: {  	s2 =	sld [smem:$0x3FAF]  }
0x29: {  	s4 =	sld [smem:$0x3FB1]  }
0x2a: {  	p0 =	seq.s32 s5, $0x0;
	s5 =	sld [smem:$0x3FB2]  }
0x2b: {  	s6 =	sld [smem:$0x3FB3]  }
0x2c: {  	s7 =	sld [smem:$0x3FB4]  }
0x2d: {  	s3 =	simm.s32 $0x108;
	s8 =	sld [smem:$0x3FB5]  }
0x2e: {  	s3 =	simm.s32 @!p0 $0x1082;
	s9 =	sld [smem:$0x3FB6]  }
0x2f: {  	lr =	sadd.s32 s0, s3;
	s0 =	sld [smem:$0x3FAD]  }
0x30: {  	s3 =	sld [smem:$0x3FB0]  }
0x31: {  	[smem:$0x3FB9] =	sst s10  }
0x32: {  	s10 =	sld [smem:$0x3FB7];
	_ =	sdelay $0x3  }
0x33: {  	p0 =	seq.s32 s10, $0x1;
	s10 =	sld [smem:$0x3FB9];
	_ =	sdelay $0x3  }
0x34: {  	[smem:$0x3FB9] =	sst s10  }
0x35: {  	s10 =	sld [smem:$0x3FB8];
	_ =	sdelay $0x3  }
0x36: {  	p1 =	seq.s32 s10, $0x1;
	s10 =	sld [smem:$0x3FB9];
	_ =	sdelay $0x3  }
0x37: {  	[smem:$0x3FB9] =	sst s10  }
0x38: {  	s10 =	sld [smem:$0x3FBA]  }
0x39: {  	_ = 	snop;
	(pc) =	sbr.ind lr, $3  }
0x3a: {  	_ = 	snop  }
0x3b: {  	_ = 	snop  }
0x3c: {  	p2 =	seq.s32 s10, $0x1;
	s10 =	sld [smem:$0x3FB9]  }
0x3d: {  	_ =	shalt  }
0x3e: {  	_ =	shalt  }
0x3f: {  	_ =	shalt  }
0x40: {  	_ =	shalt  }
0x41: {  	_ =	shalt  }
0x42: {  	_ =	shalt  }
0x43: {  	_ =	shalt  }
0x44: {  	_ =	shalt  }
0x45: {  	_ =	shalt  }
0x46: {  	_ =	shalt  }
0x47: {  	_ =	shalt  }
0x48: {  	_ =	shalt  }
0x49: {  	_ =	shalt  }
0x4a: {  	_ =	shalt  }
0x4b: {  	_ =	shalt  }
0x4c: {  	_ =	shalt  }
0x4d: {  	_ =	shalt  }
0x4e: {  	_ =	shalt  }
0x4f: {  	_ =	shalt  }
0x50: {  	_ =	shalt  }
0x51: {  	_ =	shalt  }
0x52: {  	_ =	shalt  }
0x53: {  	_ =	shalt  }
0x54: {  	_ =	shalt  }
0x55: {  	_ =	shalt  }
0x56: {  	_ =	shalt  }
0x57: {  	_ =	shalt  }
0x58: {  	_ =	shalt  }
0x59: {  	_ =	shalt  }
0x5a: {  	_ =	shalt  }
0x5b: {  	_ =	shalt  }
0x5c: {  	_ =	shalt  }
0x5d: {  	_ =	shalt  }
0x5e: {  	_ =	shalt  }
0x5f: {  	_ =	shalt  }
0x60: {  	_ =	shalt  }
0x61: {  	_ =	shalt  }
0x62: {  	_ =	shalt  }
0x63: {  	_ =	shalt  }
0x64: {  	_ =	shalt  }
0x65: {  	_ =	shalt  }
0x66: {  	_ =	shalt  }
0x67: {  	_ =	shalt  }
0x68: {  	_ =	shalt  }
0x69: {  	_ =	shalt  }
0x6a: {  	_ =	shalt  }
0x6b: {  	_ =	shalt  }
0x6c: {  	_ =	shalt  }
0x6d: {  	_ =	shalt  }
0x6e: {  	_ =	shalt  }
0x6f: {  	_ =	shalt  }
0x70: {  	_ =	shalt  }
0x71: {  	_ =	shalt  }
0x72: {  	_ =	shalt  }
0x73: {  	_ =	shalt  }
0x74: {  	_ =	shalt  }
0x75: {  	_ =	shalt  }
0x76: {  	_ =	shalt  }
0x77: {  	_ =	shalt  }
0x78: {  	_ =	shalt  }
0x79: {  	_ =	shalt  }
0x7a: {  	_ =	shalt  }
0x7b: {  	_ =	shalt  }
0x7c: {  	_ =	shalt  }
0x7d: {  	_ =	shalt  }
0x7e: {  	_ =	shalt  }
0x7f: {  	_ =	shalt  }
0x80: {  	_ =	shalt  }
0x81: {  	_ =	shalt  }
0x82: {  	_ =	shalt  }
0x83: {  	_ =	shalt  }
0x84: {  	_ =	shalt  }
0x85: {  	_ =	shalt  }
0x86: {  	_ =	shalt  }
0x87: {  	_ =	shalt  }
.Lfunc_end0:
.L_simem_size_0:
called_computation_lowered:
.L_overlay_start_0:
0x88: {  	s2 =	sld [smem:$0x3FD9]  }
0x89: {  	s3 =	sld [smem:$0x3FFE];
	_ =	sdelay $0x1  }
0x8a: {  	s1 =	srdreg.scid  }
0x8b: {  	s0 =	sand.u32 $0x1, s1  }
0x8c: {  	s17 =	sshll.u32 s0, $0xA;
	s2 =	sadd.s32 s3, s2  }
0x8d: {  	s2 =	sadd.s32 s2, s17  }
0x8e: {  	[smem:$0x3FC5] =	sst s2  }
0x8f: {  	_ = 	snop  }
0x90: {  	s2 =	sld [smem:$0x3FC7]  }
0x91: {  	s18 =	sld [smem:$0x3FD0];
	(tm) =	ssettm $0x1  }
0x92: {  	s4 =	sld [smem:$0x3FFB];
	_ =	sdelay $0x3  }
0x93: {  	_ =	strace s4  }
0x94: {  	s4 =	sld [smem:$0x3FFC];
	_ =	sdelay $0x3  }
0x95: {  	_ =	strace s4  }
0x96: {  	s4 =	sld [smem:$0x3FFD];
	_ =	sdelay $0x3  }
0x97: {  	_ =	strace s4  }
0x98: {  	_ =	strace $0x8FFFFFFF  }
0x99: {  	s19 =	sld [smem:$0x3FDB];
	_ =	sdelay $0x1  }
0x9a: {  	s5 =	simm.s32 $_scs_section_size  }
0x9b: {  	s6 =	simm.s32 $_size__tile_overlayer_lowered;
	s7 =	simm.s32 $_tile_overlayer_lowered  }
0x9c: {  	s22 =	simm.s32 $0x1BFF;
	s21 =	sshll.u32 s7, $0x1;
	s4 =	sadd.s32 s5, s19  }
0x9d: {  	s8 =	simm.s32 $0x0;
	s20 =	sshll.u32 s6, $0x1;
	s6 =	sadd.s32 s21, s4  }
0x9e: {  	[timem:s8], [sflag:s22] =	dma.local [hbm:s6], s20  }
0x9f: {  	_ =	swait.ge [sflag:s22], s20  }
0xa0: {  	s5 =	ssub.s32 $0x0, s20;
	[sflag:s22] =	ssyncset.done $0x0  }
0xa1: {  	[sflag:s22] =	ssyncadd.s32 s5;
	_ =	sdelay $0x1  }
0xa2: {  	s23 =	simm.s32 $0x1B8B  }
0xa3: {  	_ =	swait.ge [sflag:s23], $0x1  }
0xa4: {  	[sflag:s23] =	ssyncset.done $0x0  }
0xa5: {  	s25 =	simm.s32 $0x1B8E;
	s24 =	sld [smem:$0x3FFE];
	[sflag:s23] =	ssyncadd.s32 $0xFFFFFFFF  }
0xa6: {  	s26 =	simm.s32 $execute0_lowered;
	[smem:$0x3FD2] =	sst s25  }
0xa7: {  	s6 =	sshll.u32 s26, $0x1;
	_ =	strace $0x80000046;
	[dreg:$0x1] =	wrdreg $0xFFFFFFFF  }
0xa8: {  	s28 =	simm.s32 $_size_execute0_lowered;
	s4 =	sadd.s32 s4, s6;
	[dreg:$0x0] =	wrdreg $0x0  }
0xa9: {  	s6 =	sshll.u32 s28, $0x1;
	[dreg:$0x2] =	wrdreg s4  }
0xaa: {  	[dreg:$0x3] =	wrdreg s6  }
0xab: {  	[dreg:$0x4] =	wrdreg $0xC0  }
0xac: {  	_ =	task [dreg:s8], $0x5FFFF  }
0xad: {  	[dreg:$0x1] =	wrdreg $0xFFFFFFFF  }
0xae: {  	[dreg:$0x0] =	wrdreg $0x60  }
0xaf: {  	[dreg:$0x2] =	wrdreg s24  }
0xb0: {  	[dreg:$0x3] =	wrdreg s2  }
0xb1: {  	[dreg:$0x4] =	wrdreg s18  }
0xb2: {  	[dreg:$0x5] =	wrdreg $0x9  }
0xb3: {  	_ =	task.clear_ibuf [dreg:s8], $0x6FFFF;
	_ =	strace $0x90000046  }
0xb4: {  	s29 =	simm.s32 $0x9;
	_ =	strace $0x80000048  }
0xb5: {  	_ =	swait.ge [sflag:s29], $0x1  }
0xb6: {  	[sflag:s29] =	ssyncadd.s32 $0xFFFFFFFF  }
0xb7: {  	_ =	strace $0x90000048  }
0xb8: {  	_ =	sfence  }
0xb9: {  	s30 =	sld [smem:$0x0];
	_ =	sdelay $0x2  }
0xba: {  	s31 =	sshll.u32 s1, $0xD;
	s1 =	sshrl.u32 s1, $0x2  }
0xbb: {  	s3 =	sand.u32 $0x4000, s31;
	s1 =	sadd.s32 s1, s30  }
0xbc: {  	s0 =	sor.u32 s3, s0;
	s1 =	sshll.u32 s1, $0x11  }
0xbd: {  	s0 =	sor.u32 s1, s0  }
0xbe: {  	s0 =	sadd.s32 $0x8F2B, s0  }
0xbf: {  	[sflag:s0] =	ssyncadd.remote.s32 $0x1  }
0xc0: {  	_ =	sfence.sel $0xFFFF  }
0xc1: {  	[dreg:$0x0] =	wrdreg $0xFFFFFFFF;
	(pc) =	sbr.abs _section_cstart, $3  }
0xc2: {  	[dreg:$0x1] =	wrdreg $0xFFFFFFFF  }
0xc3: {  	_ =	task.clear_ibuf [dreg:s8], $0x2FFFF;
	_ =	strace $0x9FFFFFFF  }
0xc4: {  	(tm) =	ssettm $0x7FFFFFFF  }
0xc5: {  	_ =	shalt  }
tec
execute0_lowered:
.L_overlay_start_1:
0x0: {  	(tag) =	ssettag $0x1  }
0x1: {  	s5 =	rddreg [dreg:$0x0]  }
0x2: {  	s6 =	rddreg [dreg:$0x1]  }
0x3: {  	s1 =	rddreg [dreg:$0x2]  }
0x4: {  	s0 =	rddreg [dreg:$0x3];
	s2 =	stileid.u32  }
0x5: {  	s3 =	simm.s32 $0x0;
	s4 =	srdreg.scid;
	s9 =	smul.u32 $0x28, s2  }
0x6: {  	[smem:$0x7FF] =	sst s3;
	s12 =	smul.u32 $0xA000, s2  }
0x7: {  	s7 =	sand.u32 $0x1, s4;
	s24 =	sshll.u32 s2, $0x1;
	s13 =	smul.u32 $0x1400, s2  }
0x8: {  	s5 =	sadd.s32 $0x400, s5;
	_ =	strace $0x80000047;
	s11 =	smul.u32 $0x14, s7  }
0x9: {  	s8 =	ssub.s32 $0x2, s7;
	s4 =	sor.u32 s7, s24;
	s28 =	smul.u32 $0xA00, s7  }
0xa: {  	s30 =	smul.u32 $0x5000, s7;
	s10 =	sshrl.u32 s8, $0x1;
	s25 =	ssub.s32 $0xCD5, s4  }
0xb: {  	s26 =	ssub.s32 $0xCB5, s4;
	s6 =	sadd.s32 s9, s6;
	[dreg:$0x4] =	wrdreg s25  }
0xc: {  	s31 =	sadd.s32 s13, s1;
	s8 =	ssub.s32 s8, s10;
	[dreg:$0x5] =	wrdreg s26  }
0xd: {  	s29 =	sadd.s32 s11, s6;
	s9 =	sadd.s32 s28, s31;
	s6 =	smax.u32 s8, $0x1  }
0xe: {  	s7 =	sadd.s32 $0xC80, s29;
	s8 =	sadd.s32 s30, s12;
	s9 =	sadd.s32 $0x28000, s9  }
.LBB2_1:
0xf: {  	p3 =	por $0x1, $0x1;
	s10 =	sadd.s32 $0x0, s4;
	p2 =	por $0x0, $0x0  }
0x10: {  	p0 =	por $0x0, $0x0;
	s11 =	simm.s32 @!p3 $0x7;
	p1 =	sgt.u32 @!p2 s10, $0xC34  }
0x11: {  	s12 =	sadd.s32 $0xFFFFFFA0, s10;
	_ =	swait.ge @!p3 [sflag:s11], $0x5000;
	p4 =	por p1, p2  }
0x12: {  	p5 =	slt.s32 s12, $0xC35;
	[sflag:s11] =	ssyncset.done @!p3 $0x0;
	s12 =	simm.s32 @!p4 $0xD  }
0x13: {  	s13 =	simm.s32 @!p4 $0x0;
	[sflag:s11] =	ssyncadd.s32 @!p3 $0xFFFFB000;
	s11 =	sadd.s32 @!p4 $0xFFFFF380, s7  }
0x14: {  	[tilespmem:s13], [sflag:$0xD] =	stream.linear.gather @!p4 [hbm4b:s11+s13], $0xA0, $0x38;
	[tilespmem:$0x1E600] =	vst v63  }
0x15: {  	p1 =	por !p0, !p5;
	s14 =	simm.s32 @!p4 $0xA0;
	_ =	swait.ge @!p4 [sflag:s12], $0xA0  }
0x16: {  	p1 =	por !p1, !p1;
	s11 =	simm.s32 @!p4 $0x600;
	[sflag:s12] =	ssyncset.done @!p4 $0x0  }
0x17: {  	s15 =	sadd.s32 @p1 $0xFFE20000, s8;
	[sflag:s12] =	ssyncadd.s32 @!p4 $0xFFFFFF60;
	s12 =	simm.s32 @p1 $0x4  }
0x18: {  	[tilespmem:s11], [sflag:$0x1] =	stream.indirect.gather @!p4 [hbm4b:s5+s14], $0x80, s13, s14, $0xb8;
	[tilespmem:$0x1E600] =	vst v63  }
0x19: {  	s11 =	sshrl.u32 @p1 s15, $0x3;
	s14 =	simm.s32 @p1 $0xF600;
	_ =	swait.ge @p1 [sflag:s12], $0x5000  }
0x1a: {  	s11 =	sadd.s32 @p1 s1, s11;
	[sflag:s12] =	ssyncset.done @p1 $0x0;
	s13 =	rddreg [dreg:$0x4]  }
0x1b: {  	[sflag:s12] =	ssyncadd.s32 @p1 $0xFFFFB000;
	s12 =	simm.s32 @p1 $0x0;
	p4 =	sle.u32 @!p3 s13, $0x0  }
0x1c: {  	[hbm4b:s11+s12] =	stream.linear.scatter @p1 [tilespmem:s14], [sflag:$0xA], $0x5000, $0x38;
	[tilespmem:$0x1E600] =	vst v63  }
0x1d: {  	s26 =	sadd.s32 $0xFFFFFFC0, s10;
	p5 =	por p4, p3;
	s11 =	sadd.s32 $0x20, s10  }
0x1e: {  	p6 =	slt.s32 s26, $0xC35;
	s12 =	simm.s32 @!p5 $0x8;
	p4 =	sgt.u32 @!p2 s11, $0xC34  }
0x1f: {  	_ =	swait.ge @!p5 [sflag:s12], $0x5000;
	p4 =	por p4, p2;
	p2 =	por !p0, !p6  }
0x20: {  	[sflag:s12] =	ssyncset.done @!p5 $0x0;
	s13 =	simm.s32 @!p4 $0x100;
	s14 =	simm.s32 @!p4 $0x0  }
0x21: {  	s15 =	simm.s32 @!p4 $0xD;
	[sflag:s12] =	ssyncadd.s32 @!p5 $0xFFFFB000;
	s12 =	sadd.s32 @!p4 $0xFFFFF600, s7  }
0x22: {  	[tilespmem:s13], [sflag:$0xD] =	stream.linear.gather @!p4 [hbm4b:s12+s14], $0xA0, $0x38;
	[tilespmem:$0x1E600] =	vst v63  }
0x23: {  	p2 =	por !p2, !p2;
	_ =	swait.ge @!p4 [sflag:s15], $0xA0  }
0x24: {  	s16 =	sadd.s32 @p2 $0xFFEC0000, s8;
	s12 =	simm.s32 @!p4 $0xA0;
	[sflag:s15] =	ssyncset.done @!p4 $0x0  }
0x25: {  	s14 =	simm.s32 @!p4 $0x5600;
	[sflag:s15] =	ssyncadd.s32 @!p4 $0xFFFFFF60;
	s15 =	simm.s32 @p2 $0x5  }
0x26: {  	[tilespmem:s14], [sflag:$0x2] =	stream.indirect.gather @!p4 [hbm4b:s5+s12], $0x80, s13, s12, $0xb8;
	[tilespmem:$0x1E600] =	vst v63  }
0x27: {  	s12 =	sshrl.u32 @p2 s16, $0x3;
	s14 =	simm.s32 @p2 $0x0;
	_ =	swait.ge @p2 [sflag:s15], $0x5000  }
0x28: {  	s12 =	sadd.s32 @p2 s1, s12;
	[sflag:s15] =	ssyncset.done @p2 $0x0;
	s13 =	rddreg [dreg:$0x5]  }
0x29: {  	[sflag:s15] =	ssyncadd.s32 @p2 $0xFFFFB000;
	s15 =	simm.s32 @p2 $0x14600;
	p4 =	sle.u32 @!p3 s13, $0x0  }
0x2a: {  	[hbm4b:s12+s14] =	stream.linear.scatter @p2 [tilespmem:s15], [sflag:$0xB], $0x5000, $0x38;
	[tilespmem:$0x1E600] =	vst v63  }
0x2b: {  	s28 =	sadd.s32 $0xFFFFFFE0, s10;
	p3 =	por p4, p3  }
0x2c: {  	s29 =	sadd.s32 $0x40, s10;
	p6 =	slt.s32 s28, $0xC35;
	s12 =	simm.s32 @!p3 $0x9  }
0x2d: {  	p4 =	por !p0, !p6;
	p0 =	sgt.u32 s29, $0xC34;
	_ =	swait.ge @!p3 [sflag:s12], $0x5000  }
0x2e: {  	s13 =	sadd.s32 @!p0 $0xFFFFF880, s7;
	s16 =	simm.s32 @!p0 $0x200;
	[sflag:s12] =	ssyncset.done @!p3 $0x0  }
0x2f: {  	s14 =	simm.s32 @!p0 $0x0;
	[sflag:s12] =	ssyncadd.s32 @!p3 $0xFFFFB000;
	s12 =	simm.s32 @!p0 $0xD  }
0x30: {  	[tilespmem:s16], [sflag:$0xD] =	stream.linear.gather @!p0 [hbm4b:s13+s14], $0xA0, $0x38;
	[tilespmem:$0x1E600] =	vst v63  }
0x31: {  	s15 =	simm.s32 @!p0 $0xA600;
	_ =	swait.ge @!p0 [sflag:s12], $0xA0  }
0x32: {  	p3 =	por !p4, !p4;
	s13 =	simm.s32 @!p0 $0xA0;
	[sflag:s12] =	ssyncset.done @!p0 $0x0  }
0x33: {  	s17 =	sadd.s32 @p3 $0xFFF60000, s8;
	[sflag:s12] =	ssyncadd.s32 @!p0 $0xFFFFFF60;
	s12 =	simm.s32 @p3 $0x6  }
0x34: {  	[tilespmem:s15], [sflag:$0x3] =	stream.indirect.gather @!p0 [hbm4b:s5+s13], $0x80, s16, s13, $0xb8;
	[tilespmem:$0x1E600] =	vst v63  }
0x35: {  	s30 =	sadd.s32 $0x60, s10;
	s13 =	sshrl.u32 @p3 s17, $0x3;
	_ =	swait.ge @p3 [sflag:s12], $0x5000  }
0x36: {  	s16 =	simm.s32 @p3 $0x19600;
	s17 =	simm.s32 @p3 $0x0;
	[sflag:s12] =	ssyncset.done @p3 $0x0  }
0x37: {  	s13 =	sadd.s32 @p3 s1, s13;
	[sflag:s12] =	ssyncadd.s32 @p3 $0xFFFFB000;
	s12 =	simm.s32 @p1 $0xA  }
0x38: {  	[hbm4b:s13+s17] =	stream.linear.scatter @p3 [tilespmem:s16], [sflag:$0xC], $0x5000, $0x38;
	[tilespmem:$0x1E600] =	vst v63  }
0x39: {  	p4 =	sgt.u32 s30, $0xC34;
	_ =	swait.ge @p1 [sflag:s12], $0x5000  }
0x3a: {  	s13 =	simm.s32 @!p4 $0x300;
	s16 =	simm.s32 @!p4 $0x0;
	[sflag:s12] =	ssyncset.done @p1 $0x0  }
0x3b: {  	s17 =	simm.s32 @!p4 $0xD;
	[sflag:s12] =	ssyncadd.s32 @p1 $0xFFFFB000;
	s12 =	sadd.s32 @!p4 $0xFFFFFB00, s7  }
0x3c: {  	[tilespmem:s13], [sflag:$0xD] =	stream.linear.gather @!p4 [hbm4b:s12+s16], $0xA0, $0x38;
	[tilespmem:$0x1E600] =	vst v63  }
0x3d: {  	_ =	swait.ge @!p4 [sflag:s17], $0xA0  }
0x3e: {  	p1 =	sgt.u32 s10, $0xC34;
	[sflag:s17] =	ssyncset.done @!p4 $0x0  }
0x3f: {  	s12 =	simm.s32 @!p4 $0xA0;
	s16 =	simm.s32 @!p4 $0xF600;
	[sflag:s17] =	ssyncadd.s32 @!p4 $0xFFFFFF60  }
0x40: {  	[tilespmem:s16], [sflag:$0x4] =	stream.indirect.gather @!p4 [hbm4b:s5+s12], $0x80, s13, s12, $0xb8;
	[tilespmem:$0x1E600] =	vst v63  }
0x41: {  	s12 =	simm.s32 @!p1 $0x1  }
0x42: {  	s31 =	sadd.s32 $0x80, s10;
	_ =	swait.ge @!p1 [sflag:s12], $0x5000  }
0x43: {  	s17 =	simm.s32 @!p1 $0x0;
	s13 =	simm.s32 @!p1 $0x600;
	[sflag:s12] =	ssyncset.done @!p1 $0x0  }
0x44: {  	s16 =	sadd.s32 @!p1 $0xFFFD8000, s9;
	[sflag:s12] =	ssyncadd.s32 @!p1 $0xFFFFB000;
	s12 =	simm.s32 @p2 $0xB  }
0x45: {  	[hbm4b:s16+s17] =	stream.linear.scatter @!p1 [tilespmem:s13], [sflag:$0x7], $0x5000, $0x38;
	[tilespmem:$0x1E600] =	vst v63  }
0x46: {  	p1 =	sgt.u32 s31, $0xC34;
	_ =	swait.ge @p2 [sflag:s12], $0x5000  }
0x47: {  	s13 =	simm.s32 @!p1 $0x400;
	s16 =	simm.s32 @!p1 $0x0;
	[sflag:s12] =	ssyncset.done @p2 $0x0  }
0x48: {  	s17 =	simm.s32 @!p1 $0xD;
	[sflag:s12] =	ssyncadd.s32 @p2 $0xFFFFB000;
	s12 =	sadd.s32 @!p1 $0xFFFFFD80, s7  }
0x49: {  	[tilespmem:s13], [sflag:$0xD] =	stream.linear.gather @!p1 [hbm4b:s12+s16], $0xA0, $0x38;
	[tilespmem:$0x1E600] =	vst v63  }
0x4a: {  	_ =	swait.ge @!p1 [sflag:s17], $0xA0  }
0x4b: {  	[sflag:s17] =	ssyncset.done @!p1 $0x0  }
0x4c: {  	s12 =	simm.s32 @!p1 $0xA0;
	s16 =	simm.s32 @!p1 $0x14600;
	[sflag:s17] =	ssyncadd.s32 @!p1 $0xFFFFFF60  }
0x4d: {  	[tilespmem:s16], [sflag:$0x5] =	stream.indirect.gather @!p1 [hbm4b:s5+s12], $0x80, s13, s12, $0xb8;
	[tilespmem:$0x1E600] =	vst v63  }
0x4e: {  	p1 =	sgt.u32 s11, $0xC34  }
0x4f: {  	s11 =	simm.s32 @!p1 $0x2  }
0x50: {  	s10 =	sadd.s32 $0xA0, s10;
	_ =	swait.ge @!p1 [sflag:s11], $0x5000  }
0x51: {  	s12 =	simm.s32 @!p1 $0x5600;
	s13 =	sadd.s32 @!p1 $0xFFFEC000, s9;
	[sflag:s11] =	ssyncset.done @!p1 $0x0  }
0x52: {  	s16 =	simm.s32 @!p1 $0x0;
	[sflag:s11] =	ssyncadd.s32 @!p1 $0xFFFFB000;
	s11 =	simm.s32 @p3 $0xC  }
0x53: {  	[hbm4b:s13+s16] =	stream.linear.scatter @!p1 [tilespmem:s12], [sflag:$0x8], $0x5000, $0x38;
	[tilespmem:$0x1E600] =	vst v63  }
0x54: {  	p1 =	sgt.u32 s10, $0xC34;
	_ =	swait.ge @p3 [sflag:s11], $0x5000  }
0x55: {  	s10 =	simm.s32 @!p1 $0x0;
	[sflag:s11] =	ssyncset.done @p3 $0x0  }
0x56: {  	s12 =	simm.s32 @!p1 $0xD;
	[sflag:s11] =	ssyncadd.s32 @p3 $0xFFFFB000;
	s11 =	simm.s32 @!p1 $0x500  }
0x57: {  	[tilespmem:s11], [sflag:$0xD] =	stream.linear.gather @!p1 [hbm4b:s7+s10], $0xA0, $0x38;
	[tilespmem:$0x1E600] =	vst v63  }
0x58: {  	_ =	swait.ge @!p1 [sflag:s12], $0xA0  }
0x59: {  	s18 =	smov.u32 s9;
	s16 =	simm.s32 @!p0 $0x3;
	[sflag:s12] =	ssyncset.done @!p1 $0x0  }
0x5a: {  	s13 =	simm.s32 @!p1 $0x19600;
	s10 =	simm.s32 @!p1 $0xA0;
	[sflag:s12] =	ssyncadd.s32 @!p1 $0xFFFFFF60  }
0x5b: {  	[tilespmem:s13], [sflag:$0x6] =	stream.indirect.gather @!p1 [hbm4b:s5+s10], $0x80, s11, s10, $0xb8;
	[tilespmem:$0x1E600] =	vst v63  }
0x5c: {  	s12 =	sadd.s32 $0xF00, s7;
	s10 =	simm.s32 $0xC0;
	_ =	swait.ge @!p0 [sflag:s16], $0x5000  }
0x5d: {  	s11 =	sadd.s32 $0x78000, s9;
	s13 =	sadd.s32 $0x3C0000, s8;
	[sflag:s16] =	ssyncset.done @!p0 $0x0  }
.LBB2_2:
0x5e: {  	p4 =	seq.s32 s10, $0x0;
	[sflag:s16] =	ssyncadd.s32 @!p0 $0xFFFFB000  }
0x5f: {  	[hbm4b:s18+s14] =	stream.linear.scatter @!p0 [tilespmem:s15], [sflag:$0x9], $0x5000, $0x38;
	[tilespmem:$0x1E600] =	vst v63  }
0x60: {  	p1 =	sne.s32 s10, $0x0;
	s17 =	sadd.s32 s10, s4;
	s14 =	simm.s32 @!p4 $0x7  }
0x61: {  	p0 =	seq.s32 s10, $0xCC0;
	s22 =	sadd.s32 $0xFFFFFFA0, s17;
	s23 =	sadd.s32 $0xFFFFFFC0, s17  }
0x62: {  	_ =	swait.ge @!p4 [sflag:s14], $0x5000;
	p2 =	sgt.u32 @!p0 s17, $0xC34;
	s16 =	simm.s32 @!p0 $0x0  }
0x63: {  	p6 =	slt.s32 s22, $0xC35;
	[sflag:s14] =	ssyncset.done @!p4 $0x0;
	s16 =	simm.s32 @p0 $0x1  }
0x64: {  	p5 =	por p2, p0;
	[smem:$0x7FC] =	sst s16;
	[sflag:s14] =	ssyncadd.s32 @!p4 $0xFFFFB000  }
0x65: {  	s14 =	sadd.s32 @!p5 $0xFFFFF380, s12;
	s18 =	simm.s32 @!p5 $0x0;
	s16 =	sadd.s32 $0x20, s17  }
0x66: {  	[tilespmem:s18], [sflag:$0xD] =	stream.linear.gather @!p5 [hbm4b:s14+s18], $0xA0, $0x38;
	[tilespmem:$0x1E600] =	vst v63  }
0x67: {  	p2 =	por !p1, !p6;
	s15 =	simm.s32 @!p5 $0xD;
	p3 =	sgt.u32 @!p0 s16, $0xC34  }
0x68: {  	p2 =	por !p2, !p2;
	s14 =	simm.s32 @!p5 $0x600;
	s19 =	simm.s32 @!p3 $0x0  }
0x69: {  	s20 =	sadd.s32 @p2 $0xFFE20000, s13;
	_ =	swait.ge @!p5 [sflag:s15], $0xA0;
	s19 =	simm.s32 @p3 $0x1  }
0x6a: {  	[sflag:s15] =	ssyncset.done @!p5 $0x0;
	p3 =	slt.s32 s23, $0xC35;
	[smem:$0x7FB] =	sst s19  }
0x6b: {  	s19 =	simm.s32 @!p5 $0xA0;
	[sflag:s15] =	ssyncadd.s32 @!p5 $0xFFFFFF60;
	s15 =	simm.s32 @p2 $0x4  }
0x6c: {  	[tilespmem:s14], [sflag:$0x1] =	stream.indirect.gather @!p5 [hbm4b:s5+s19], $0x80, s18, s19, $0xb8;
	[tilespmem:$0x1E600] =	vst v63  }
0x6d: {  	p0 =	por !p1, !p3;
	s14 =	sshrl.u32 @p2 s20, $0x3;
	_ =	swait.ge @p2 [sflag:s15], $0x5000  }
0x6e: {  	s20 =	simm.s32 @p2 $0xF600;
	s14 =	sadd.s32 @p2 s1, s14;
	[sflag:s15] =	ssyncset.done @p2 $0x0  }
0x6f: {  	s19 =	rddreg [dreg:$0x4];
	[sflag:s15] =	ssyncadd.s32 @p2 $0xFFFFB000;
	s15 =	simm.s32 @p2 $0x0  }
0x70: {  	[hbm4b:s14+s15] =	stream.linear.scatter @p2 [tilespmem:s20], [sflag:$0xA], $0x5000, $0x38;
	[tilespmem:$0x1E600] =	vst v63  }
0x71: {  	p5 =	sge.u32 @!p4 s10, s19;
	s15 =	simm.s32 @!p0 $0x0  }
0x72: {  	p6 =	por p5, p4;
	s15 =	simm.s32 @p0 $0x1  }
0x73: {  	s18 =	simm.s32 @!p6 $0x8;
	[smem:$0x7FD] =	sst s15  }
0x74: {  	_ =	swait.ge @!p6 [sflag:s18], $0x5000  }
0x75: {  	s26 =	sld [smem:$0x7FB]  }
0x76: {  	s28 =	sld [smem:$0x7FC];
	_ =	sdelay $0x2  }
0x77: {  	p0 =	seq.s32 s26, $0x1;
	p5 =	seq.s32 s28, $0x1  }
0x78: {  	[sflag:s18] =	ssyncset.done @!p6 $0x0;
	p0 =	por p0, p5  }
0x79: {  	[sflag:s18] =	ssyncadd.s32 @!p6 $0xFFFFB000;
	s15 =	sadd.s32 @!p0 $0xFFFFF600, s12  }
0x7a: {  	s19 =	simm.s32 @!p0 $0x100;
	s18 =	simm.s32 @!p0 $0x0;
	s22 =	simm.s32 @!p0 $0xD  }
0x7b: {  	[tilespmem:s19], [sflag:$0xD] =	stream.linear.gather @!p0 [hbm4b:s15+s18], $0xA0, $0x38;
	[tilespmem:$0x1E600] =	vst v63  }
0x7c: {  	_ =	swait.ge @!p0 [sflag:s22], $0xA0  }
0x7d: {  	s25 =	sadd.s32 $0xFFFFFFE0, s17;
	s29 =	sld [smem:$0x7FD];
	[sflag:s22] =	ssyncset.done @!p0 $0x0  }
0x7e: {  	s15 =	simm.s32 @!p0 $0xA0;
	s18 =	simm.s32 @!p0 $0x5600;
	[sflag:s22] =	ssyncadd.s32 @!p0 $0xFFFFFF60  }
0x7f: {  	[tilespmem:s18], [sflag:$0x2] =	stream.indirect.gather @!p0 [hbm4b:s5+s15], $0x80, s19, s15, $0xb8;
	[tilespmem:$0x1E600] =	vst v63  }
0x80: {  	p3 =	por p1, p1;
	p1 =	slt.s32 s25, $0xC35;
	p6 =	seq.s32 s29, $0x1  }
0x81: {  	p1 =	por !p3, !p1;
	p3 =	por !p6, !p6  }
0x82: {  	s22 =	simm.s32 @p3 $0x5;
	s23 =	sadd.s32 @p3 $0xFFEC0000, s13  }
0x83: {  	_ =	swait.ge @p3 [sflag:s22], $0x5000;
	s15 =	sshrl.u32 @p3 s23, $0x3;
	s23 =	simm.s32 @p3 $0x14600  }
0x84: {  	[sflag:s22] =	ssyncset.done @p3 $0x0;
	s15 =	sadd.s32 @p3 s1, s15;
	s18 =	rddreg [dreg:$0x5]  }
0x85: {  	[sflag:s22] =	ssyncadd.s32 @p3 $0xFFFFB000;
	s22 =	simm.s32 @p3 $0x0;
	p0 =	sge.u32 @!p4 s10, s18  }
0x86: {  	[hbm4b:s15+s22] =	stream.linear.scatter @p3 [tilespmem:s23], [sflag:$0xB], $0x5000, $0x38;
	[tilespmem:$0x1E600] =	vst v63  }
0x87: {  	p4 =	por p0, p4  }
0x88: {  	s24 =	sadd.s32 $0x40, s17;
	s15 =	simm.s32 @!p4 $0x9  }
0x89: {  	p0 =	sgt.u32 s24, $0xC34;
	_ =	swait.ge @!p4 [sflag:s15], $0x5000  }
0x8a: {  	s22 =	sadd.s32 @!p0 $0xFFFFF880, s12;
	s23 =	simm.s32 @!p0 $0x200;
	[sflag:s15] =	ssyncset.done @!p4 $0x0  }
0x8b: {  	s14 =	simm.s32 @!p0 $0x0;
	s24 =	simm.s32 @!p0 $0xD;
	[sflag:s15] =	ssyncadd.s32 @!p4 $0xFFFFB000  }
0x8c: {  	[tilespmem:s23], [sflag:$0xD] =	stream.linear.gather @!p0 [hbm4b:s22+s14], $0xA0, $0x38;
	[tilespmem:$0x1E600] =	vst v63  }
0x8d: {  	p4 =	por !p1, !p1;
	_ =	swait.ge @!p0 [sflag:s24], $0xA0  }
0x8e: {  	s15 =	simm.s32 @!p0 $0xA600;
	s22 =	simm.s32 @!p0 $0xA0;
	[sflag:s24] =	ssyncset.done @!p0 $0x0  }
0x8f: {  	s25 =	sadd.s32 @p4 $0xFFF60000, s13;
	[sflag:s24] =	ssyncadd.s32 @!p0 $0xFFFFFF60;
	s24 =	simm.s32 @p4 $0x6  }
0x90: {  	[tilespmem:s15], [sflag:$0x3] =	stream.indirect.gather @!p0 [hbm4b:s5+s22], $0x80, s23, s22, $0xb8;
	[tilespmem:$0x1E600] =	vst v63  }
0x91: {  	s21 =	sadd.s32 $0x60, s17;
	s22 =	sshrl.u32 @p4 s25, $0x3;
	_ =	swait.ge @p4 [sflag:s24], $0x5000  }
0x92: {  	s23 =	simm.s32 @p4 $0x19600;
	s25 =	simm.s32 @p4 $0x0;
	[sflag:s24] =	ssyncset.done @p4 $0x0  }
0x93: {  	s22 =	sadd.s32 @p4 s1, s22;
	[sflag:s24] =	ssyncadd.s32 @p4 $0xFFFFB000;
	s24 =	simm.s32 @p2 $0xA  }
0x94: {  	[hbm4b:s22+s25] =	stream.linear.scatter @p4 [tilespmem:s23], [sflag:$0xC], $0x5000, $0x38;
	[tilespmem:$0x1E600] =	vst v63  }
0x95: {  	p5 =	sgt.u32 s21, $0xC34;
	_ =	swait.ge @p2 [sflag:s24], $0x5000  }
0x96: {  	s21 =	sadd.s32 @!p5 $0xFFFFFB00, s12;
	s22 =	simm.s32 @!p5 $0x300;
	[sflag:s24] =	ssyncset.done @p2 $0x0  }
0x97: {  	s23 =	simm.s32 @!p5 $0x0;
	[sflag:s24] =	ssyncadd.s32 @p2 $0xFFFFB000;
	s24 =	simm.s32 @!p5 $0xD  }
0x98: {  	[tilespmem:s22], [sflag:$0xD] =	stream.linear.gather @!p5 [hbm4b:s21+s23], $0xA0, $0x38;
	[tilespmem:$0x1E600] =	vst v63  }
0x99: {  	s30 =	sadd.s32 $0x80, s17;
	s31 =	sadd.s32 $0xA0, s17;
	_ =	swait.ge @!p5 [sflag:s24], $0xA0  }
0x9a: {  	p2 =	sgt.u32 s17, $0xC34;
	s17 =	simm.s32 @!p5 $0xA0;
	[sflag:s24] =	ssyncset.done @!p5 $0x0  }
0x9b: {  	s21 =	simm.s32 @!p5 $0xF600;
	s23 =	simm.s32 @!p2 $0x1;
	[sflag:s24] =	ssyncadd.s32 @!p5 $0xFFFFFF60  }
0x9c: {  	[tilespmem:s21], [sflag:$0x4] =	stream.indirect.gather @!p5 [hbm4b:s5+s17], $0x80, s22, s17, $0xb8;
	[tilespmem:$0x1E600] =	vst v63  }
0x9d: {  	_ =	swait.ge @!p2 [sflag:s23], $0x5000  }
0x9e: {  	s17 =	simm.s32 @!p2 $0x600;
	s21 =	sadd.s32 @!p2 $0xFFFD8000, s11;
	[sflag:s23] =	ssyncset.done @!p2 $0x0  }
0x9f: {  	s22 =	simm.s32 @!p2 $0x0;
	[sflag:s23] =	ssyncadd.s32 @!p2 $0xFFFFB000;
	s23 =	simm.s32 @p3 $0xB  }
0xa0: {  	[hbm4b:s21+s22] =	stream.linear.scatter @!p2 [tilespmem:s17], [sflag:$0x7], $0x5000, $0x38;
	[tilespmem:$0x1E600] =	vst v63  }
0xa1: {  	p2 =	sgt.u32 s30, $0xC34;
	_ =	swait.ge @p3 [sflag:s23], $0x5000  }
0xa2: {  	s17 =	sadd.s32 @!p2 $0xFFFFFD80, s12;
	s20 =	simm.s32 @!p2 $0x400;
	[sflag:s23] =	ssyncset.done @p3 $0x0  }
0xa3: {  	s21 =	simm.s32 @!p2 $0x0;
	s22 =	simm.s32 @!p2 $0xD;
	[sflag:s23] =	ssyncadd.s32 @p3 $0xFFFFB000  }
0xa4: {  	[tilespmem:s20], [sflag:$0xD] =	stream.linear.gather @!p2 [hbm4b:s17+s21], $0xA0, $0x38;
	[tilespmem:$0x1E600] =	vst v63  }
0xa5: {  	_ =	swait.ge @!p2 [sflag:s22], $0xA0  }
0xa6: {  	p3 =	sgt.u32 s16, $0xC34;
	s16 =	simm.s32 @!p2 $0xA0;
	[sflag:s22] =	ssyncset.done @!p2 $0x0  }
0xa7: {  	s17 =	simm.s32 @!p2 $0x14600;
	s21 =	simm.s32 @!p3 $0x2;
	[sflag:s22] =	ssyncadd.s32 @!p2 $0xFFFFFF60  }
0xa8: {  	[tilespmem:s17], [sflag:$0x5] =	stream.indirect.gather @!p2 [hbm4b:s5+s16], $0x80, s20, s16, $0xb8;
	[tilespmem:$0x1E600] =	vst v63  }
0xa9: {  	_ =	swait.ge @!p3 [sflag:s21], $0x5000  }
0xaa: {  	s16 =	simm.s32 @!p3 $0x5600;
	s17 =	sadd.s32 @!p3 $0xFFFEC000, s11;
	[sflag:s21] =	ssyncset.done @!p3 $0x0  }
0xab: {  	s20 =	simm.s32 @!p3 $0x0;
	[sflag:s21] =	ssyncadd.s32 @!p3 $0xFFFFB000;
	s21 =	simm.s32 @p4 $0xC  }
0xac: {  	[hbm4b:s17+s20] =	stream.linear.scatter @!p3 [tilespmem:s16], [sflag:$0x8], $0x5000, $0x38;
	[tilespmem:$0x1E600] =	vst v63  }
0xad: {  	p2 =	sgt.u32 s31, $0xC34;
	_ =	swait.ge @p4 [sflag:s21], $0x5000  }
0xae: {  	s10 =	sadd.s32 $0xC0, s10;
	s19 =	simm.s32 @!p2 $0xD;
	[sflag:s21] =	ssyncset.done @p4 $0x0  }
0xaf: {  	s16 =	simm.s32 @!p2 $0x0;
	s17 =	simm.s32 @!p2 $0x500;
	[sflag:s21] =	ssyncadd.s32 @p4 $0xFFFFB000  }
0xb0: {  	[tilespmem:s17], [sflag:$0xD] =	stream.linear.gather @!p2 [hbm4b:s12+s16], $0xA0, $0x38;
	[tilespmem:$0x1E600] =	vst v63  }
0xb1: {  	p6 =	sne.s32 s10, $0xD80;
	_ =	swait.ge @!p2 [sflag:s19], $0xA0  }
.Ltmp0:
0xb2: {  	s20 =	simm.s32 @!p2 $0xA0;
	[sflag:s19] =	ssyncset.done @!p2 $0x0;
	(pc) =	sbr.rel @p6 .LBB2_2-.Ltmp0, $4  }
0xb3: {  	s21 =	simm.s32 @!p2 $0x19600;
	s16 =	simm.s32 @!p0 $0x3;
	[sflag:s19] =	ssyncadd.s32 @!p2 $0xFFFFFF60  }
0xb4: {  	[tilespmem:s21], [sflag:$0x6] =	stream.indirect.gather @!p2 [hbm4b:s5+s20], $0x80, s17, s20, $0xb8;
	[tilespmem:$0x1E600] =	vst v63  }
0xb5: {  	s18 =	smov.u32 s11;
	s13 =	sadd.s32 $0x3C0000, s13;
	_ =	swait.ge @!p0 [sflag:s16], $0x5000  }
0xb6: {  	s11 =	sadd.s32 $0x78000, s11;
	s12 =	sadd.s32 $0xF00, s12;
	[sflag:s16] =	ssyncset.done @!p0 $0x0  }
0xb7: {  	[sflag:s16] =	ssyncadd.s32 @!p0 $0xFFFFB000;
	s3 =	sadd.s32 $0x1, s3  }
0xb8: {  	[hbm4b:s18+s14] =	stream.linear.scatter @!p0 [tilespmem:s15], [sflag:$0x9], $0x5000, $0x38;
	[tilespmem:$0x1E600] =	vst v63  }
0xb9: {  	p0 =	sne.s32 s3, s6  }
.Ltmp1:
0xba: {  	_ = 	snop;
	(pc) =	sbr.rel @p0 .LBB2_1-.Ltmp1, $1  }
0xbb: {  	_ =	sdelay $0x3  }
0xbc: {  	_ =	sfence.sel $0x180000  }
0xbd: {  	[bflag:$0x0] =	sbarrier.arrive $0xFFFF  }
0xbe: {  	p0 =	sne.s32 s2, $0x0;
	_ =	strace $0x90000047  }
0xbf: {  	s0 =	sadd.s32 @!p0 $0x100000, s0;
	[bflag:$0x2] =	sbarrier.arrive $0xFFFF  }
0xc0: {  	[sflag:s0] =	ssyncadd.tile.s32 @!p0 $0x1;
	_ =	shalt  }
.Lfunc_end2:
_tile_overlayer_lowered:
.L_overlay_start_2:
0xc1: {  	(tag) =	ssettag $0x2  }
0xc2: {  	s0 =	rddreg [dreg:$0x0];
	s2 =	stileid.u32  }
0xc3: {  	s1 =	rddreg [dreg:$0x1];
	p0 =	sne.s32 s2, $0x0  }
0xc4: {  	s3 =	rddreg [dreg:$0x2];
	[bflag:$0x3] =	sbarrier.arrive $0xFFFF;
	s2 =	simm.s32 @!p0 $0x1C0D  }
0xc5: {  	[timem:s3], [sflag:s2] =	dma.local @!p0 [hbm:s0], s1  }
0xc6: {  	s0 =	simm.s32 @!p0 $0xD  }
0xc7: {  	_ =	swait.ge @!p0 [sflag:s0], s1  }
0xc8: {  	s1 =	ssub.s32 @!p0 $0x0, s1;
	[sflag:s0] =	ssyncset.done @!p0 $0x0  }
0xc9: {  	[sflag:s0] =	ssyncadd.s32 @!p0 s1  }
0xca: {  	[bflag:$0x3] =	sbarrier.arrive $0xFFFF  }
0xcb: {  	_ =	shalt  }

</sc_bundles>
